<compile_context>
chip_gen: v7x
topology: tpu7x:2x2x1
jax: 0.10.2.dev20260603
libtpu: 0.0.44.dev20260713+nightly
codegen_flags: <defaults>
</compile_context>

<pallas_src>
import functools

import numpy as np

import jax
import jax.numpy as jnp
from jax import lax
from jax.experimental import pallas as pl
from jax.experimental.pallas import tpu as pltpu
from jax.experimental.pallas import tpu_sc as plsc

EMBED = 256
HEADS = 8
LEVELS = 4
POINTS = 4
SHAPES = ((64, 64), (32, 32), (16, 16), (8, 8))
BS = 2
NQ = sum(h * w for h, w in SHAPES)
HEAD_DIM = EMBED // HEADS
HLP = HEADS * LEVELS * POINTS
TQ = 680
NJ = NQ // TQ

_LMAP = np.array([(c // POINTS) % LEVELS for c in range(HLP)], np.int32)
_HMAP = np.array([c // (LEVELS * POINTS) for c in range(HLP)], np.int32)
_STARTS = np.cumsum([0] + [h * w for h, w in SHAPES])[:LEVELS].astype(np.int32)
_WCOL = np.array([SHAPES[l][1] for l in _LMAP], np.int32)
_HCOL = np.array([SHAPES[l][0] for l in _LMAP], np.int32)
_STARTCOL = _STARTS[_LMAP]

N_ITEMS = BS * NQ
N_TILES = 32
ITEMS_PER_TILE = N_ITEMS // N_TILES


def _prep_body(q_ref, rpx_ref, rpy_ref, wval_ref, bval_ref, woffx_ref,
               boffx_ref, woffy_ref, boffy_ref, wattn_ref, battn_ref,
               ci_ref, cf_ref, val_ref, idx_ref, w_ref):
    b = pl.program_id(0)
    q = q_ref[0]

    dot = functools.partial(
        lax.dot_general, dimension_numbers=(((1,), (1,)), ((), ())),
        preferred_element_type=jnp.float32)

    val_ref[0] = dot(q, wval_ref[...]) + bval_ref[0][None, :]

    offx = dot(q, woffx_ref[...]) + boffx_ref[0][None, :]
    offy = dot(q, woffy_ref[...]) + boffy_ref[0][None, :]
    logits = dot(q, wattn_ref[...]) + battn_ref[0][None, :]

    z = logits.reshape(TQ, HEADS, LEVELS * POINTS)
    z = z - jnp.max(z, axis=-1, keepdims=True)
    e = jnp.exp(z)
    aw = (e / jnp.sum(e, axis=-1, keepdims=True)).reshape(TQ, HLP)

    wcol = cf_ref[0][None, :]
    hcol = cf_ref[1][None, :]
    wm1 = ci_ref[0][None, :]
    hm1 = ci_ref[1][None, :]
    start = ci_ref[2][None, :]
    hmap = ci_ref[3][None, :]
    wint = ci_ref[4][None, :]

    px = rpx_ref[0] * wcol + offx - 0.5
    py = rpy_ref[0] * hcol + offy - 0.5
    x0f = jnp.floor(px)
    y0f = jnp.floor(py)
    fx = px - x0f
    fy = py - y0f
    ix0 = x0f.astype(jnp.int32)
    iy0 = y0f.astype(jnp.int32)
    wxs = (1.0 - fx, fx)
    wys = (1.0 - fy, fy)

    base_row = b * (NQ * HEADS) + hmap
    for cy in range(2):
        for cx in range(2):
            ci = cy * 2 + cx
            ix = ix0 + cx
            iy = iy0 + cy
            valid = ((ix >= 0) & (ix <= wm1) & (iy >= 0) & (iy <= hm1))
            ixc = jnp.clip(ix, 0, wm1)
            iyc = jnp.clip(iy, 0, hm1)
            cell = start + iyc * wint + ixc
            idx_ref[0, :, ci, :] = base_row + cell * HEADS
            w_ref[0, :, ci, :] = aw * wxs[cx] * wys[cy] * valid.astype(jnp.float32)


def _out_body(m_ref, q_ref, wout_ref, bout_ref, o_ref):
    dot = functools.partial(
        lax.dot_general, dimension_numbers=(((1,), (1,)), ((), ())),
        preferred_element_type=jnp.float32)
    o_ref[0] = dot(m_ref[0], wout_ref[...]) + bout_ref[0][None, :] + q_ref[0]


def _sc_body(table_ref, idx_hbm, w_hbm, out_hbm, idx_v, w_v, rows_v, out_v,
             g_sem, io_sem, o_sem):
    nc = 2
    wid = lax.axis_index("s") * nc + lax.axis_index("c")
    base = wid * ITEMS_PER_TILE

    def fire_io(j, bb):
        pltpu.async_copy(idx_hbm.at[base + j],
                         idx_v.at[pl.ds(bb * 4, 4)], io_sem.at[bb])
        pltpu.async_copy(w_hbm.at[base + j], w_v.at[bb], io_sem.at[bb])

    def wait_io(bb):
        pltpu.make_async_copy(idx_hbm.at[0], idx_v.at[pl.ds(bb * 4, 4)],
                              io_sem.at[bb]).wait()
        pltpu.make_async_copy(w_hbm.at[0], w_v.at[bb], io_sem.at[bb]).wait()

    def fire_gathers(bb):
        for c in range(4):
            pltpu.async_copy(table_ref.at[idx_v.at[bb * 4 + c]],
                             rows_v.at[bb, c], g_sem.at[bb, c])

    def wait_gathers(bb):
        for c in range(4):
            pltpu.make_async_copy(table_ref.at[idx_v.at[bb * 4 + c]],
                                  rows_v.at[bb, c], g_sem.at[bb, c]).wait()

    def wait_out(bb):
        pltpu.make_async_copy(out_v.at[bb], out_hbm.at[0], o_sem.at[bb]).wait()

    fire_io(0, 0)
    fire_io(1, 1)
    wait_io(0)
    fire_gathers(0)

    def pair_body(i, carry):
        j0 = i * 2
        for b in range(2):
            j = j0 + b
            wait_gathers(b)

            @pl.when(j + 1 < ITEMS_PER_TILE)
            def _(b=b):
                wait_io(1 - b)
                fire_gathers(1 - b)

            @pl.when(j >= 2)
            def _(b=b):
                wait_out(b)

            for h in range(HEADS):
                out_v[b, pl.ds(h * 32, 16)] = rows_v[b, 0, h, pl.ds(0, 16)]
                out_v[b, pl.ds(h * 32 + 16, 16)] = rows_v[b, 0, h, pl.ds(16, 16)]
            pltpu.async_copy(out_v.at[b], out_hbm.at[base + j], o_sem.at[b])

            @pl.when(j + 2 < ITEMS_PER_TILE)
            def _(b=b, j=j):
                fire_io(j + 2, b)
        return carry

    lax.fori_loop(0, ITEMS_PER_TILE // 2, pair_body, 0)
    wait_out(0)
    wait_out(1)


def _run_prep(q_t, rpx, rpy, W_val, b_val, W_off_x, b_off_x, W_off_y,
              b_off_y, W_attn, b_attn, ci, cf, interpret=False):
    grid = (BS, NJ)
    full = lambda shape: pl.BlockSpec(shape, lambda b, j: tuple(0 for _ in shape))
    return pl.pallas_call(
        _prep_body,
        grid=grid,
        in_specs=[
            pl.BlockSpec((1, TQ, EMBED), lambda b, j: (b, j, 0)),
            pl.BlockSpec((1, TQ, HLP), lambda b, j: (b, j, 0)),
            pl.BlockSpec((1, TQ, HLP), lambda b, j: (b, j, 0)),
            full((EMBED, EMBED)),
            full((1, EMBED)),
            full((HLP, EMBED)),
            full((1, HLP)),
            full((HLP, EMBED)),
            full((1, HLP)),
            full((HLP, EMBED)),
            full((1, HLP)),
            full((8, HLP)),
            full((8, HLP)),
        ],
        out_specs=[
            pl.BlockSpec((1, TQ, EMBED), lambda b, j: (b, j, 0)),
            pl.BlockSpec((1, TQ, 4, HLP), lambda b, j: (b, j, 0, 0)),
            pl.BlockSpec((1, TQ, 4, HLP), lambda b, j: (b, j, 0, 0)),
        ],
        out_shape=[
            jax.ShapeDtypeStruct((BS, NQ, EMBED), jnp.float32),
            jax.ShapeDtypeStruct((BS, NQ, 4, HLP), jnp.int32),
            jax.ShapeDtypeStruct((BS, NQ, 4, HLP), jnp.float32),
        ],
        interpret=interpret,
    )(q_t, rpx, rpy, W_val, b_val, W_off_x, b_off_x, W_off_y, b_off_y,
      W_attn, b_attn, ci, cf)


def _run_out(msda, q_t, W_out, b_out, interpret=False):
    full = lambda shape: pl.BlockSpec(shape, lambda b, j: tuple(0 for _ in shape))
    return pl.pallas_call(
        _out_body,
        grid=(BS, NJ),
        in_specs=[
            pl.BlockSpec((1, TQ, EMBED), lambda b, j: (b, j, 0)),
            pl.BlockSpec((1, TQ, EMBED), lambda b, j: (b, j, 0)),
            full((EMBED, EMBED)),
            full((1, EMBED)),
        ],
        out_specs=pl.BlockSpec((1, TQ, EMBED), lambda b, j: (b, j, 0)),
        out_shape=jax.ShapeDtypeStruct((BS, NQ, EMBED), jnp.float32),
        interpret=interpret,
    )(msda, q_t, W_out, b_out)


def _run_sc(table, idx, w):
    mesh = plsc.VectorSubcoreMesh(core_axis_name="c", subcore_axis_name="s")
    kern = functools.partial(
        pl.kernel,
        mesh=mesh,
        out_type=jax.ShapeDtypeStruct((N_ITEMS, EMBED), jnp.float32),
        scratch_types=[
            pltpu.VMEM((8, HLP), jnp.int32),
            pltpu.VMEM((2, 4 * HLP), jnp.float32),
            pltpu.VMEM((2, 4, HLP, HEAD_DIM), jnp.float32),
            pltpu.VMEM((2, EMBED), jnp.float32),
            pltpu.SemaphoreType.DMA((2, 4)),
            pltpu.SemaphoreType.DMA((2,)),
            pltpu.SemaphoreType.DMA((2,)),
        ],
        compiler_params=pltpu.CompilerParams(
            needs_layout_passes=False, use_tc_tiling_on_sc=False),
    )(_sc_body)
    return kern(table, idx, w)


def kernel(query, reference_points, spatial_shapes, W_off, b_off, W_attn,
           b_attn, W_val, b_val, W_out, b_out):
    del spatial_shapes
    q_t = jnp.transpose(query, (1, 0, 2))

    W_off_r = W_off.reshape(HEADS, LEVELS, POINTS, 2, EMBED)
    b_off_r = b_off.reshape(HEADS, LEVELS, POINTS, 2)
    W_off_x = W_off_r[..., 0, :].reshape(HLP, EMBED)
    W_off_y = W_off_r[..., 1, :].reshape(HLP, EMBED)
    b_off_x = b_off_r[..., 0].reshape(1, HLP)
    b_off_y = b_off_r[..., 1].reshape(1, HLP)

    lmap = jnp.asarray(_LMAP)
    rpx = reference_points[..., 0][:, :, lmap]
    rpy = reference_points[..., 1][:, :, lmap]

    ci = np.zeros((8, HLP), np.int32)
    ci[0] = _WCOL - 1
    ci[1] = _HCOL - 1
    ci[2] = _STARTCOL
    ci[3] = _HMAP
    ci[4] = _WCOL
    cf = np.zeros((8, HLP), np.float32)
    cf[0] = _WCOL.astype(np.float32)
    cf[1] = _HCOL.astype(np.float32)

    val, idx, w = _run_prep(
        q_t, rpx, rpy, W_val, b_val.reshape(1, EMBED), W_off_x, b_off_x,
        W_off_y, b_off_y, W_attn, b_attn.reshape(1, HLP),
        jnp.asarray(ci), jnp.asarray(cf))

    table = val.reshape(BS * NQ * HEADS, HEAD_DIM)
    idx = idx.reshape(N_ITEMS, 4, HLP)
    w = w.reshape(N_ITEMS, 4 * HLP)

    msda = _run_sc(table, idx, w).reshape(BS, NQ, EMBED)

    out_t = _run_out(msda, q_t, W_out, b_out.reshape(1, EMBED))
    return jnp.transpose(out_t, (1, 0, 2))

# --- scband reference (transcript-rebuilt; emitter-appended) ---
"""Pipeline reference for scband-py-torch-custom-msda-26989574488776 (READ-ONLY COPY).

The authoritative reference and input builder live on the scoring server;
editing this copy changes nothing except your own understanding.
"""

import jax, jax.numpy as jnp
import numpy as np

EMBED = 256
HEADS = 8
LEVELS = 4
POINTS = 4
SHAPES = [(64, 64), (32, 32), (16, 16), (8, 8)]
BS = 2
NQ = sum(h * w for h, w in SHAPES)  # 5440 (encoder self-attn: num_query == num_value)
HEAD_DIM = EMBED // HEADS


def _grid_sample(img, grid):
    # img: [N, C, H, W]; grid: [N, Hg, Wg, 2] with (x, y) in [-1, 1]
    # bilinear, padding_mode='zeros', align_corners=False (matches torch.nn.functional.grid_sample)
    N, C, H, W = img.shape
    x = ((grid[..., 0] + 1.0) * W - 1.0) / 2.0
    y = ((grid[..., 1] + 1.0) * H - 1.0) / 2.0
    x0 = jnp.floor(x)
    y0 = jnp.floor(y)
    x1 = x0 + 1.0
    y1 = y0 + 1.0
    wx1 = x - x0
    wx0 = 1.0 - wx1
    wy1 = y - y0
    wy0 = 1.0 - wy1
    flat = img.reshape(N, C, H * W)

    def gather(ix, iy):
        valid = ((ix >= 0) & (ix < W) & (iy >= 0) & (iy < H)).astype(img.dtype)
        ixc = jnp.clip(ix, 0, W - 1).astype(jnp.int32)
        iyc = jnp.clip(iy, 0, H - 1).astype(jnp.int32)
        idx = (iyc * W + ixc).reshape(N, 1, -1)
        g = jnp.take_along_axis(flat, jnp.broadcast_to(idx, (N, C, idx.shape[-1])), axis=2)
        g = g.reshape(N, C, *ix.shape[1:])
        return g * valid[:, None]

    out = (gather(x0, y0) * (wx0 * wy0)[:, None]
           + gather(x1, y0) * (wx1 * wy0)[:, None]
           + gather(x0, y1) * (wx0 * wy1)[:, None]
           + gather(x1, y1) * (wx1 * wy1)[:, None])
    return out


def _msda(value, shapes, sampling_locations, attention_weights):
    bs, num_value, heads, ed = value.shape
    _, nq, _, levels, points, _ = sampling_locations.shape
    grids = 2.0 * sampling_locations - 1.0
    start = 0
    samp = []
    for lvl, (H, W) in enumerate(shapes):
        v_l = value[:, start:start + H * W]
        start += H * W
        v_l = jnp.transpose(v_l.reshape(bs, H * W, heads * ed), (0, 2, 1)).reshape(bs * heads, ed, H, W)
        g_l = jnp.transpose(grids[:, :, :, lvl], (0, 2, 1, 3, 4)).reshape(bs * heads, nq, points, 2)
        samp.append(_grid_sample(v_l, g_l))
    aw = jnp.transpose(attention_weights, (0, 2, 1, 3, 4)).reshape(bs * heads, 1, nq, levels * points)
    out = (jnp.stack(samp, axis=-2).reshape(bs * heads, ed, nq, levels * points) * aw).sum(-1)
    out = out.reshape(bs, heads * ed, nq)
    return jnp.transpose(out, (0, 2, 1))


def setup_inputs(seed: int = 0):
    key = jax.random.key(seed)
    ks = jax.random.split(key, 12)
    s = 0.02
    return {
        "query": jax.random.normal(ks[0], (NQ, BS, EMBED), jnp.float32),
        "reference_points": jax.random.uniform(ks[1], (BS, NQ, LEVELS, 2), dtype=jnp.float32),
        "spatial_shapes": jnp.array(SHAPES, dtype=jnp.int32),
        "W_off": jax.random.normal(ks[2], (HEADS * LEVELS * POINTS * 2, EMBED), jnp.float32) * s,
        "b_off": jax.random.normal(ks[3], (HEADS * LEVELS * POINTS * 2,), jnp.float32) * s,
        "W_attn": jax.random.normal(ks[4], (HEADS * LEVELS * POINTS, EMBED), jnp.float32) * s,
        "b_attn": jax.random.normal(ks[5], (HEADS * LEVELS * POINTS,), jnp.float32) * s,
        "W_val": jax.random.normal(ks[6], (EMBED, EMBED), jnp.float32) * s,
        "b_val": jax.random.normal(ks[7], (EMBED,), jnp.float32) * s,
        "W_out": jax.random.normal(ks[8], (EMBED, EMBED), jnp.float32) * s,
        "b_out": jax.random.normal(ks[9], (EMBED,), jnp.float32) * s,
    }


def reference(query, reference_points, spatial_shapes, W_off, b_off, W_attn, b_attn, W_val, b_val, W_out, b_out):
    shapes = SHAPES
    # batch_first=False: query is [nq, bs, e]; value=query, identity=query
    identity = query
    q = jnp.transpose(query, (1, 0, 2))
    v = q
    bs, nq, _ = q.shape
    value = (v @ W_val.T + b_val).reshape(bs, nq, HEADS, HEAD_DIM)
    off = (q @ W_off.T + b_off).reshape(bs, nq, HEADS, LEVELS, POINTS, 2)
    aw = jax.nn.softmax((q @ W_attn.T + b_attn).reshape(bs, nq, HEADS, LEVELS * POINTS), axis=-1)
    aw = aw.reshape(bs, nq, HEADS, LEVELS, POINTS)
    norm = jnp.flip(spatial_shapes, axis=1).astype(jnp.float32)
    loc = reference_points[:, :, None, :, None, :] + off / norm[None, None, None, :, None, :]
    out = _msda(value, shapes, loc, aw)
    out = out @ W_out.T + b_out
    out = jnp.transpose(out, (1, 0, 2))
    return out + identity

if __name__ == "__main__":
    import jax
    _d = setup_inputs()
    print(jax.jit(kernel)(*tuple(_d.values())))

</pallas_src>

<mosaic_0001>
#map = affine_map<(d0, d1) -> (0, 0)>
#map1 = affine_map<(d0, d1) -> (0, 0, 0)>
module attributes {stable_mosaic.version = 14 : i64} {
  func.func @_sc_body(%arg0: i32, %arg1: i32, %arg2: memref<87040x32xf32, #tpu.memory_space<hbm>>, %arg3: memref<10880x4x128xi32, #tpu.memory_space<hbm>>, %arg4: memref<10880x512xf32, #tpu.memory_space<hbm>>, %arg5: memref<10880x256xf32, #tpu.memory_space<hbm>>, %arg6: memref<8x128xi32, #tpu.memory_space<vmem>>, %arg7: memref<2x512xf32, #tpu.memory_space<vmem>>, %arg8: memref<2x4x128x32xf32, #tpu.memory_space<vmem>>, %arg9: memref<2x256xf32, #tpu.memory_space<vmem>>, %arg10: memref<2x4x!tpu.dma_semaphore, #tpu.memory_space<semaphore_mem>>, %arg11: memref<2x!tpu.dma_semaphore, #tpu.memory_space<semaphore_mem>>, %arg12: memref<2x!tpu.dma_semaphore, #tpu.memory_space<semaphore_mem>>) attributes {dimension_semantics = [#tpu.dimension_semantics<core_parallel>, #tpu.dimension_semantics<subcore_parallel>], iteration_bounds = array<i64: 2, 16>, scalar_prefetch = 0 : i64, scratch_operands = 7 : i64, tpu.core_type = #tpu.core_type<sc_vector_subcore>, window_params = [{transform_indices = #map}, {transform_indices = #map1}, {transform_indices = #map}, {transform_indices = #map}]} {
    %mul3A = arith.constant 2 : i32
    %mul3A_0 = arith.muli %arg1, %mul3A : i32
    %add3A = arith.addi %mul3A_0, %arg0 : i32
    %mul3A_1 = arith.constant 340 : i32
    %mul3A_2 = arith.muli %add3A, %mul3A_1 : i32
    %add3A_3 = arith.constant 0 : i32
    %add3A_4 = arith.addi %mul3A_2, %add3A_3 : i32
    %dma_start3A = arith.constant 0 : i32
    %dma_start3A_5 = arith.constant 0 : i32
    %dma_start3A_6 = arith.constant 0 : i32
    %dma_start3A_7 = tpu.memref_slice %arg6[%dma_start3A_5, %dma_start3A_6] : memref<8x128xi32, #tpu.memory_space<vmem>> -> memref<4x128xi32, #tpu.memory_space<vmem>>
    %dma_start3A_8 = arith.constant 0 : i32
    %dma_start3A_9 = arith.constant 0 : i32
    %dma_start3A_10 = tpu.memref_slice %arg3[%add3A_4, %dma_start3A_8, %dma_start3A_9] : memref<10880x4x128xi32, #tpu.memory_space<hbm>> -> memref<1x4x128xi32, #tpu.memory_space<hbm>>
    %dma_start3A_11 = tpu.memref_squeeze %dma_start3A_10 : memref<1x4x128xi32, #tpu.memory_space<hbm>> -> memref<4x128xi32, #tpu.memory_space<hbm>>
    %dma_start3A_12 = tpu.memref_slice %arg11[%dma_start3A] : memref<2x!tpu.dma_semaphore, #tpu.memory_space<semaphore_mem>> -> memref<1x!tpu.dma_semaphore, #tpu.memory_space<semaphore_mem>>
    %dma_start3A_13 = tpu.memref_squeeze %dma_start3A_12 : memref<1x!tpu.dma_semaphore, #tpu.memory_space<semaphore_mem>> -> memref<!tpu.dma_semaphore, #tpu.memory_space<semaphore_mem>>
    %dma_start3A_14 = arith.constant 0 : i32
    %dma_start3A_15 = arith.constant 0 : i32
    %dma_start3A_16 = tpu.memref_slice %arg6[%dma_start3A_14, %dma_start3A_15] : memref<8x128xi32, #tpu.memory_space<vmem>> -> memref<4x128xi32, #tpu.memory_space<vmem>>
    %dma_start3A_17 = arith.constant 0 : i32
    %dma_start3A_18 = arith.constant 0 : i32
    %dma_start3A_19 = tpu.memref_slice %arg3[%add3A_4, %dma_start3A_17, %dma_start3A_18] : memref<10880x4x128xi32, #tpu.memory_space<hbm>> -> memref<1x4x128xi32, #tpu.memory_space<hbm>>
    %dma_start3A_20 = tpu.memref_squeeze %dma_start3A_19 : memref<1x4x128xi32, #tpu.memory_space<hbm>> -> memref<4x128xi32, #tpu.memory_space<hbm>>
    tpu.enqueue_dma source(%dma_start3A_20 : memref<4x128xi32, #tpu.memory_space<hbm>>) target(%dma_start3A_16 : memref<4x128xi32, #tpu.memory_space<vmem>>) target_semaphore(%dma_start3A_13 : memref<!tpu.dma_semaphore, #tpu.memory_space<semaphore_mem>>)
    %add3A_21 = arith.constant 0 : i32
    %add3A_22 = arith.addi %mul3A_2, %add3A_21 : i32
    %dma_start3A_23 = arith.constant 0 : i32
    %dma_start3A_24 = arith.constant 0 : i32
    %dma_start3A_25 = arith.constant 0 : i32
    %dma_start3A_26 = tpu.memref_slice %arg7[%dma_start3A_23, %dma_start3A_25] : memref<2x512xf32, #tpu.memory_space<vmem>> -> memref<1x512xf32, #tpu.memory_space<vmem>>
    %dma_start3A_27 = tpu.memref_squeeze %dma_start3A_26 : memref<1x512xf32, #tpu.memory_space<vmem>> -> memref<512xf32, #tpu.memory_space<vmem>>
    %dma_start3A_28 = arith.constant 0 : i32
    %dma_start3A_29 = tpu.memref_slice %arg4[%add3A_22, %dma_start3A_28] : memref<10880x512xf32, #tpu.memory_space<hbm>> -> memref<1x512xf32, #tpu.memory_space<hbm>>
    %dma_start3A_30 = tpu.memref_squeeze %dma_start3A_29 : memref<1x512xf32, #tpu.memory_space<hbm>> -> memref<512xf32, #tpu.memory_space<hbm>>
    %dma_start3A_31 = tpu.memref_slice %arg11[%dma_start3A_24] : memref<2x!tpu.dma_semaphore, #tpu.memory_space<semaphore_mem>> -> memref<1x!tpu.dma_semaphore, #tpu.memory_space<semaphore_mem>>
    %dma_start3A_32 = tpu.memref_squeeze %dma_start3A_31 : memref<1x!tpu.dma_semaphore, #tpu.memory_space<semaphore_mem>> -> memref<!tpu.dma_semaphore, #tpu.memory_space<semaphore_mem>>
    %dma_start3A_33 = arith.constant 0 : i32
    %dma_start3A_34 = tpu.memref_slice %arg7[%dma_start3A_23, %dma_start3A_33] : memref<2x512xf32, #tpu.memory_space<vmem>> -> memref<1x512xf32, #tpu.memory_space<vmem>>
    %dma_start3A_35 = tpu.memref_squeeze %dma_start3A_34 : memref<1x512xf32, #tpu.memory_space<vmem>> -> memref<512xf32, #tpu.memory_space<vmem>>
    %dma_start3A_36 = arith.constant 0 : i32
    %dma_start3A_37 = tpu.memref_slice %arg4[%add3A_22, %dma_start3A_36] : memref<10880x512xf32, #tpu.memory_space<hbm>> -> memref<1x512xf32, #tpu.memory_space<hbm>>
    %dma_start3A_38 = tpu.memref_squeeze %dma_start3A_37 : memref<1x512xf32, #tpu.memory_space<hbm>> -> memref<512xf32, #tpu.memory_space<hbm>>
    tpu.enqueue_dma source(%dma_start3A_38 : memref<512xf32, #tpu.memory_space<hbm>>) target(%dma_start3A_35 : memref<512xf32, #tpu.memory_space<vmem>>) target_semaphore(%dma_start3A_32 : memref<!tpu.dma_semaphore, #tpu.memory_space<semaphore_mem>>)
    %add3A_39 = arith.constant 1 : i32
    %add3A_40 = arith.addi %mul3A_2, %add3A_39 : i32
    %dma_start3A_41 = arith.constant 1 : i32
    %dma_start3A_42 = arith.constant 4 : i32
    %dma_start3A_43 = arith.constant 0 : i32
    %dma_start3A_44 = tpu.memref_slice %arg6[%dma_start3A_42, %dma_start3A_43] : memref<8x128xi32, #tpu.memory_space<vmem>> -> memref<4x128xi32, #tpu.memory_space<vmem>>
    %dma_start3A_45 = arith.constant 0 : i32
    %dma_start3A_46 = arith.constant 0 : i32
    %dma_start3A_47 = tpu.memref_slice %arg3[%add3A_40, %dma_start3A_45, %dma_start3A_46] : memref<10880x4x128xi32, #tpu.memory_space<hbm>> -> memref<1x4x128xi32, #tpu.memory_space<hbm>>
    %dma_start3A_48 = tpu.memref_squeeze %dma_start3A_47 : memref<1x4x128xi32, #tpu.memory_space<hbm>> -> memref<4x128xi32, #tpu.memory_space<hbm>>
    %dma_start3A_49 = tpu.memref_slice %arg11[%dma_start3A_41] : memref<2x!tpu.dma_semaphore, #tpu.memory_space<semaphore_mem>> -> memref<1x!tpu.dma_semaphore, #tpu.memory_space<semaphore_mem>>
    %dma_start3A_50 = tpu.memref_squeeze %dma_start3A_49 : memref<1x!tpu.dma_semaphore, #tpu.memory_space<semaphore_mem>> -> memref<!tpu.dma_semaphore, #tpu.memory_space<semaphore_mem>>
    %dma_start3A_51 = arith.constant 4 : i32
    %dma_start3A_52 = arith.constant 0 : i32
    %dma_start3A_53 = tpu.memref_slice %arg6[%dma_start3A_51, %dma_start3A_52] : memref<8x128xi32, #tpu.memory_space<vmem>> -> memref<4x128xi32, #tpu.memory_space<vmem>>
    %dma_start3A_54 = arith.constant 0 : i32
    %dma_start3A_55 = arith.constant 0 : i32
    %dma_start3A_56 = tpu.memref_slice %arg3[%add3A_40, %dma_start3A_54, %dma_start3A_55] : memref<10880x4x128xi32, #tpu.memory_space<hbm>> -> memref<1x4x128xi32, #tpu.memory_space<hbm>>
    %dma_start3A_57 = tpu.memref_squeeze %dma_start3A_56 : memref<1x4x128xi32, #tpu.memory_space<hbm>> -> memref<4x128xi32, #tpu.memory_space<hbm>>
    tpu.enqueue_dma source(%dma_start3A_57 : memref<4x128xi32, #tpu.memory_space<hbm>>) target(%dma_start3A_53 : memref<4x128xi32, #tpu.memory_space<vmem>>) target_semaphore(%dma_start3A_50 : memref<!tpu.dma_semaphore, #tpu.memory_space<semaphore_mem>>)
    %add3A_58 = arith.constant 1 : i32
    %add3A_59 = arith.addi %mul3A_2, %add3A_58 : i32
    %dma_start3A_60 = arith.constant 1 : i32
    %dma_start3A_61 = arith.constant 1 : i32
    %dma_start3A_62 = arith.constant 0 : i32
    %dma_start3A_63 = tpu.memref_slice %arg7[%dma_start3A_60, %dma_start3A_62] : memref<2x512xf32, #tpu.memory_space<vmem>> -> memref<1x512xf32, #tpu.memory_space<vmem>>
    %dma_start3A_64 = tpu.memref_squeeze %dma_start3A_63 : memref<1x512xf32, #tpu.memory_space<vmem>> -> memref<512xf32, #tpu.memory_space<vmem>>
    %dma_start3A_65 = arith.constant 0 : i32
    %dma_start3A_66 = tpu.memref_slice %arg4[%add3A_59, %dma_start3A_65] : memref<10880x512xf32, #tpu.memory_space<hbm>> -> memref<1x512xf32, #tpu.memory_space<hbm>>
    %dma_start3A_67 = tpu.memref_squeeze %dma_start3A_66 : memref<1x512xf32, #tpu.memory_space<hbm>> -> memref<512xf32, #tpu.memory_space<hbm>>
    %dma_start3A_68 = tpu.memref_slice %arg11[%dma_start3A_61] : memref<2x!tpu.dma_semaphore, #tpu.memory_space<semaphore_mem>> -> memref<1x!tpu.dma_semaphore, #tpu.memory_space<semaphore_mem>>
    %dma_start3A_69 = tpu.memref_squeeze %dma_start3A_68 : memref<1x!tpu.dma_semaphore, #tpu.memory_space<semaphore_mem>> -> memref<!tpu.dma_semaphore, #tpu.memory_space<semaphore_mem>>
    %dma_start3A_70 = arith.constant 0 : i32
    %dma_start3A_71 = tpu.memref_slice %arg7[%dma_start3A_60, %dma_start3A_70] : memref<2x512xf32, #tpu.memory_space<vmem>> -> memref<1x512xf32, #tpu.memory_space<vmem>>
    %dma_start3A_72 = tpu.memref_squeeze %dma_start3A_71 : memref<1x512xf32, #tpu.memory_space<vmem>> -> memref<512xf32, #tpu.memory_space<vmem>>
    %dma_start3A_73 = arith.constant 0 : i32
    %dma_start3A_74 = tpu.memref_slice %arg4[%add3A_59, %dma_start3A_73] : memref<10880x512xf32, #tpu.memory_space<hbm>> -> memref<1x512xf32, #tpu.memory_space<hbm>>
    %dma_start3A_75 = tpu.memref_squeeze %dma_start3A_74 : memref<1x512xf32, #tpu.memory_space<hbm>> -> memref<512xf32, #tpu.memory_space<hbm>>
    tpu.enqueue_dma source(%dma_start3A_75 : memref<512xf32, #tpu.memory_space<hbm>>) target(%dma_start3A_72 : memref<512xf32, #tpu.memory_space<vmem>>) target_semaphore(%dma_start3A_69 : memref<!tpu.dma_semaphore, #tpu.memory_space<semaphore_mem>>)
    %dma_wait3A = arith.constant 0 : i32
    %dma_wait3A_76 = arith.constant 0 : i32
    %dma_wait3A_77 = arith.constant 0 : i32
    %dma_wait3A_78 = arith.constant 0 : i32
    %dma_wait3A_79 = tpu.memref_slice %arg6[%dma_wait3A_77, %dma_wait3A_78] : memref<8x128xi32, #tpu.memory_space<vmem>> -> memref<4x128xi32, #tpu.memory_space<vmem>>
    %dma_wait3A_80 = arith.constant 0 : i32
    %dma_wait3A_81 = arith.constant 0 : i32
    %dma_wait3A_82 = tpu.memref_slice %arg3[%dma_wait3A, %dma_wait3A_80, %dma_wait3A_81] : memref<10880x4x128xi32, #tpu.memory_space<hbm>> -> memref<1x4x128xi32, #tpu.memory_space<hbm>>
    %dma_wait3A_83 = tpu.memref_squeeze %dma_wait3A_82 : memref<1x4x128xi32, #tpu.memory_space<hbm>> -> memref<4x128xi32, #tpu.memory_space<hbm>>
    %dma_wait3A_84 = tpu.memref_slice %arg11[%dma_wait3A_76] : memref<2x!tpu.dma_semaphore, #tpu.memory_space<semaphore_mem>> -> memref<1x!tpu.dma_semaphore, #tpu.memory_space<semaphore_mem>>
    %dma_wait3A_85 = tpu.memref_squeeze %dma_wait3A_84 : memref<1x!tpu.dma_semaphore, #tpu.memory_space<semaphore_mem>> -> memref<!tpu.dma_semaphore, #tpu.memory_space<semaphore_mem>>
    %dma_wait3A_86 = arith.constant 0 : i32
    %dma_wait3A_87 = arith.constant 0 : i32
    %dma_wait3A_88 = tpu.memref_slice %arg6[%dma_wait3A_86, %dma_wait3A_87] : memref<8x128xi32, #tpu.memory_space<vmem>> -> memref<4x128xi32, #tpu.memory_space<vmem>>
    %dma_wait3A_89 = arith.constant 0 : i32
    %dma_wait3A_90 = arith.constant 0 : i32
    %dma_wait3A_91 = tpu.memref_slice %arg3[%dma_wait3A, %dma_wait3A_89, %dma_wait3A_90] : memref<10880x4x128xi32, #tpu.memory_space<hbm>> -> memref<1x4x128xi32, #tpu.memory_space<hbm>>
    %dma_wait3A_92 = tpu.memref_squeeze %dma_wait3A_91 : memref<1x4x128xi32, #tpu.memory_space<hbm>> -> memref<4x128xi32, #tpu.memory_space<hbm>>
    tpu.wait_dma2 semaphore(%dma_wait3A_85 : memref<!tpu.dma_semaphore, #tpu.memory_space<semaphore_mem>>) src(%dma_wait3A_92 : memref<4x128xi32, #tpu.memory_space<hbm>>) dst(%dma_wait3A_88 : memref<4x128xi32, #tpu.memory_space<vmem>>)
    %dma_wait3A_93 = arith.constant 0 : i32
    %dma_wait3A_94 = arith.constant 0 : i32
    %dma_wait3A_95 = arith.constant 0 : i32
    %dma_wait3A_96 = arith.constant 0 : i32
    %dma_wait3A_97 = tpu.memref_slice %arg7[%dma_wait3A_94, %dma_wait3A_96] : memref<2x512xf32, #tpu.memory_space<vmem>> -> memref<1x512xf32, #tpu.memory_space<vmem>>
    %dma_wait3A_98 = tpu.memref_squeeze %dma_wait3A_97 : memref<1x512xf32, #tpu.memory_space<vmem>> -> memref<512xf32, #tpu.memory_space<vmem>>
    %dma_wait3A_99 = arith.constant 0 : i32
    %dma_wait3A_100 = tpu.memref_slice %arg4[%dma_wait3A_93, %dma_wait3A_99] : memref<10880x512xf32, #tpu.memory_space<hbm>> -> memref<1x512xf32, #tpu.memory_space<hbm>>
    %dma_wait3A_101 = tpu.memref_squeeze %dma_wait3A_100 : memref<1x512xf32, #tpu.memory_space<hbm>> -> memref<512xf32, #tpu.memory_space<hbm>>
    %dma_wait3A_102 = tpu.memref_slice %arg11[%dma_wait3A_95] : memref<2x!tpu.dma_semaphore, #tpu.memory_space<semaphore_mem>> -> memref<1x!tpu.dma_semaphore, #tpu.memory_space<semaphore_mem>>
    %dma_wait3A_103 = tpu.memref_squeeze %dma_wait3A_102 : memref<1x!tpu.dma_semaphore, #tpu.memory_space<semaphore_mem>> -> memref<!tpu.dma_semaphore, #tpu.memory_space<semaphore_mem>>
    %dma_wait3A_104 = arith.constant 0 : i32
    %dma_wait3A_105 = tpu.memref_slice %arg7[%dma_wait3A_94, %dma_wait3A_104] : memref<2x512xf32, #tpu.memory_space<vmem>> -> memref<1x512xf32, #tpu.memory_space<vmem>>
    %dma_wait3A_106 = tpu.memref_squeeze %dma_wait3A_105 : memref<1x512xf32, #tpu.memory_space<vmem>> -> memref<512xf32, #tpu.memory_space<vmem>>
    %dma_wait3A_107 = arith.constant 0 : i32
    %dma_wait3A_108 = tpu.memref_slice %arg4[%dma_wait3A_93, %dma_wait3A_107] : memref<10880x512xf32, #tpu.memory_space<hbm>> -> memref<1x512xf32, #tpu.memory_space<hbm>>
    %dma_wait3A_109 = tpu.memref_squeeze %dma_wait3A_108 : memref<1x512xf32, #tpu.memory_space<hbm>> -> memref<512xf32, #tpu.memory_space<hbm>>
    tpu.wait_dma2 semaphore(%dma_wait3A_103 : memref<!tpu.dma_semaphore, #tpu.memory_space<semaphore_mem>>) src(%dma_wait3A_109 : memref<512xf32, #tpu.memory_space<hbm>>) dst(%dma_wait3A_106 : memref<512xf32, #tpu.memory_space<vmem>>)
    %dma_start3A_110 = arith.constant 0 : i32
    %dma_start3A_111 = arith.constant 0 : i32
    %dma_start3A_112 = arith.constant 0 : i32
    %dma_start3A_113 = arith.constant 0 : i32
    %dma_start3A_114 = arith.constant 0 : i32
    %dma_start3A_115 = arith.constant 0 : i32
    %dma_start3A_116 = arith.constant 0 : i32
    %dma_start3A_117 = tpu.memref_slice %arg8[%dma_start3A_111, %dma_start3A_112, %dma_start3A_115, %dma_start3A_116] : memref<2x4x128x32xf32, #tpu.memory_space<vmem>> -> memref<1x1x128x32xf32, #tpu.memory_space<vmem>>
    %dma_start3A_118 = tpu.memref_squeeze %dma_start3A_117 : memref<1x1x128x32xf32, #tpu.memory_space<vmem>> -> memref<128x32xf32, #tpu.memory_space<vmem>>
    %dma_start3A_119 = arith.constant 0 : i32
    %dma_start3A_120 = tpu.memref_slice %arg6[%dma_start3A_110, %dma_start3A_119] : memref<8x128xi32, #tpu.memory_space<vmem>> -> memref<1x128xi32, #tpu.memory_space<vmem>>
    %dma_start3A_121 = tpu.memref_squeeze %dma_start3A_120 : memref<1x128xi32, #tpu.memory_space<vmem>> -> memref<128xi32, #tpu.memory_space<vmem>>
    %dma_start3A_122 = arith.constant 0 : i32
    %dma_start3A_123 = arith.constant 0 : i32
    %dma_start3A_124 = tpu.memref_slice %arg2[%dma_start3A_122, %dma_start3A_123] : memref<87040x32xf32, #tpu.memory_space<hbm>> -> memref<87040x32xf32, #tpu.memory_space<hbm>>
    %dma_start3A_125 = tpu.memref_slice %arg10[%dma_start3A_113, %dma_start3A_114] : memref<2x4x!tpu.dma_semaphore, #tpu.memory_space<semaphore_mem>> -> memref<1x1x!tpu.dma_semaphore, #tpu.memory_space<semaphore_mem>>
    %dma_start3A_126 = tpu.memref_squeeze %dma_start3A_125 : memref<1x1x!tpu.dma_semaphore, #tpu.memory_space<semaphore_mem>> -> memref<!tpu.dma_semaphore, #tpu.memory_space<semaphore_mem>>
    tpu.enqueue_indirect_dma source(%dma_start3A_124 : memref<87040x32xf32, #tpu.memory_space<hbm>>) target(%dma_start3A_118 : memref<128x32xf32, #tpu.memory_space<vmem>>) offsets(%dma_start3A_121 : memref<128xi32, #tpu.memory_space<vmem>>) semaphore(%dma_start3A_126 : memref<!tpu.dma_semaphore, #tpu.memory_space<semaphore_mem>>)
    %dma_start3A_127 = arith.constant 1 : i32
    %dma_start3A_128 = arith.constant 0 : i32
    %dma_start3A_129 = arith.constant 1 : i32
    %dma_start3A_130 = arith.constant 0 : i32
    %dma_start3A_131 = arith.constant 1 : i32
    %dma_start3A_132 = arith.constant 0 : i32
    %dma_start3A_133 = arith.constant 0 : i32
    %dma_start3A_134 = tpu.memref_slice %arg8[%dma_start3A_128, %dma_start3A_129, %dma_start3A_132, %dma_start3A_133] : memref<2x4x128x32xf32, #tpu.memory_space<vmem>> -> memref<1x1x128x32xf32, #tpu.memory_space<vmem>>
    %dma_start3A_135 = tpu.memref_squeeze %dma_start3A_134 : memref<1x1x128x32xf32, #tpu.memory_space<vmem>> -> memref<128x32xf32, #tpu.memory_space<vmem>>
    %dma_start3A_136 = arith.constant 0 : i32
    %dma_start3A_137 = tpu.memref_slice %arg6[%dma_start3A_127, %dma_start3A_136] : memref<8x128xi32, #tpu.memory_space<vmem>> -> memref<1x128xi32, #tpu.memory_space<vmem>>
    %dma_start3A_138 = tpu.memref_squeeze %dma_start3A_137 : memref<1x128xi32, #tpu.memory_space<vmem>> -> memref<128xi32, #tpu.memory_space<vmem>>
    %dma_start3A_139 = arith.constant 0 : i32
    %dma_start3A_140 = arith.constant 0 : i32
    %dma_start3A_141 = tpu.memref_slice %arg2[%dma_start3A_139, %dma_start3A_140] : memref<87040x32xf32, #tpu.memory_space<hbm>> -> memref<87040x32xf32, #tpu.memory_space<hbm>>
    %dma_start3A_142 = tpu.memref_slice %arg10[%dma_start3A_130, %dma_start3A_131] : memref<2x4x!tpu.dma_semaphore, #tpu.memory_space<semaphore_mem>> -> memref<1x1x!tpu.dma_semaphore, #tpu.memory_space<semaphore_mem>>
    %dma_start3A_143 = tpu.memref_squeeze %dma_start3A_142 : memref<1x1x!tpu.dma_semaphore, #tpu.memory_space<semaphore_mem>> -> memref<!tpu.dma_semaphore, #tpu.memory_space<semaphore_mem>>
    tpu.enqueue_indirect_dma source(%dma_start3A_141 : memref<87040x32xf32, #tpu.memory_space<hbm>>) target(%dma_start3A_135 : memref<128x32xf32, #tpu.memory_space<vmem>>) offsets(%dma_start3A_138 : memref<128xi32, #tpu.memory_space<vmem>>) semaphore(%dma_start3A_143 : memref<!tpu.dma_semaphore, #tpu.memory_space<semaphore_mem>>)
    %dma_start3A_144 = arith.constant 2 : i32
    %dma_start3A_145 = arith.constant 0 : i32
    %dma_start3A_146 = arith.constant 2 : i32
    %dma_start3A_147 = arith.constant 0 : i32
    %dma_start3A_148 = arith.constant 2 : i32
    %dma_start3A_149 = arith.constant 0 : i32
    %dma_start3A_150 = arith.constant 0 : i32
    %dma_start3A_151 = tpu.memref_slice %arg8[%dma_start3A_145, %dma_start3A_146, %dma_start3A_149, %dma_start3A_150] : memref<2x4x128x32xf32, #tpu.memory_space<vmem>> -> memref<1x1x128x32xf32, #tpu.memory_space<vmem>>
    %dma_start3A_152 = tpu.memref_squeeze %dma_start3A_151 : memref<1x1x128x32xf32, #tpu.memory_space<vmem>> -> memref<128x32xf32, #tpu.memory_space<vmem>>
    %dma_start3A_153 = arith.constant 0 : i32
    %dma_start3A_154 = tpu.memref_slice %arg6[%dma_start3A_144, %dma_start3A_153] : memref<8x128xi32, #tpu.memory_space<vmem>> -> memref<1x128xi32, #tpu.memory_space<vmem>>
    %dma_start3A_155 = tpu.memref_squeeze %dma_start3A_154 : memref<1x128xi32, #tpu.memory_space<vmem>> -> memref<128xi32, #tpu.memory_space<vmem>>
    %dma_start3A_156 = arith.constant 0 : i32
    %dma_start3A_157 = arith.constant 0 : i32
    %dma_start3A_158 = tpu.memref_slice %arg2[%dma_start3A_156, %dma_start3A_157] : memref<87040x32xf32, #tpu.memory_space<hbm>> -> memref<87040x32xf32, #tpu.memory_space<hbm>>
    %dma_start3A_159 = tpu.memref_slice %arg10[%dma_start3A_147, %dma_start3A_148] : memref<2x4x!tpu.dma_semaphore, #tpu.memory_space<semaphore_mem>> -> memref<1x1x!tpu.dma_semaphore, #tpu.memory_space<semaphore_mem>>
    %dma_start3A_160 = tpu.memref_squeeze %dma_start3A_159 : memref<1x1x!tpu.dma_semaphore, #tpu.memory_space<semaphore_mem>> -> memref<!tpu.dma_semaphore, #tpu.memory_space<semaphore_mem>>
    tpu.enqueue_indirect_dma source(%dma_start3A_158 : memref<87040x32xf32, #tpu.memory_space<hbm>>) target(%dma_start3A_152 : memref<128x32xf32, #tpu.memory_space<vmem>>) offsets(%dma_start3A_155 : memref<128xi32, #tpu.memory_space<vmem>>) semaphore(%dma_start3A_160 : memref<!tpu.dma_semaphore, #tpu.memory_space<semaphore_mem>>)
    %dma_start3A_161 = arith.constant 3 : i32
    %dma_start3A_162 = arith.constant 0 : i32
    %dma_start3A_163 = arith.constant 3 : i32
    %dma_start3A_164 = arith.constant 0 : i32
    %dma_start3A_165 = arith.constant 3 : i32
    %dma_start3A_166 = arith.constant 0 : i32
    %dma_start3A_167 = arith.constant 0 : i32
    %dma_start3A_168 = tpu.memref_slice %arg8[%dma_start3A_162, %dma_start3A_163, %dma_start3A_166, %dma_start3A_167] : memref<2x4x128x32xf32, #tpu.memory_space<vmem>> -> memref<1x1x128x32xf32, #tpu.memory_space<vmem>>
    %dma_start3A_169 = tpu.memref_squeeze %dma_start3A_168 : memref<1x1x128x32xf32, #tpu.memory_space<vmem>> -> memref<128x32xf32, #tpu.memory_space<vmem>>
    %dma_start3A_170 = arith.constant 0 : i32
    %dma_start3A_171 = tpu.memref_slice %arg6[%dma_start3A_161, %dma_start3A_170] : memref<8x128xi32, #tpu.memory_space<vmem>> -> memref<1x128xi32, #tpu.memory_space<vmem>>
    %dma_start3A_172 = tpu.memref_squeeze %dma_start3A_171 : memref<1x128xi32, #tpu.memory_space<vmem>> -> memref<128xi32, #tpu.memory_space<vmem>>
    %dma_start3A_173 = arith.constant 0 : i32
    %dma_start3A_174 = arith.constant 0 : i32
    %dma_start3A_175 = tpu.memref_slice %arg2[%dma_start3A_173, %dma_start3A_174] : memref<87040x32xf32, #tpu.memory_space<hbm>> -> memref<87040x32xf32, #tpu.memory_space<hbm>>
    %dma_start3A_176 = tpu.memref_slice %arg10[%dma_start3A_164, %dma_start3A_165] : memref<2x4x!tpu.dma_semaphore, #tpu.memory_space<semaphore_mem>> -> memref<1x1x!tpu.dma_semaphore, #tpu.memory_space<semaphore_mem>>
    %dma_start3A_177 = tpu.memref_squeeze %dma_start3A_176 : memref<1x1x!tpu.dma_semaphore, #tpu.memory_space<semaphore_mem>> -> memref<!tpu.dma_semaphore, #tpu.memory_space<semaphore_mem>>
    tpu.enqueue_indirect_dma source(%dma_start3A_175 : memref<87040x32xf32, #tpu.memory_space<hbm>>) target(%dma_start3A_169 : memref<128x32xf32, #tpu.memory_space<vmem>>) offsets(%dma_start3A_172 : memref<128xi32, #tpu.memory_space<vmem>>) semaphore(%dma_start3A_177 : memref<!tpu.dma_semaphore, #tpu.memory_space<semaphore_mem>>)
    %scan3A = arith.constant 0 : i32
    %scan3A_178 = arith.constant 0 : i32
    %scan3A_179 = arith.constant 170 : i32
    %scan3A_180 = arith.addi %scan3A_178, %scan3A_179 : i32
    %scan3A_181 = arith.constant 1 : i32
    scf.for %scan3A_217 = %scan3A_178 to %scan3A_180 step %scan3A_181  : i32 {
      %mul3A_218 = arith.constant 2 : i32
      %mul3A_219 = arith.muli %scan3A_217, %mul3A_218 : i32
      %add3A_220 = arith.constant 0 : i32
      %add3A_221 = arith.addi %mul3A_219, %add3A_220 : i32
      %dma_wait3A_222 = arith.constant 0 : i32
      %dma_wait3A_223 = arith.constant 0 : i32
      %dma_wait3A_224 = arith.constant 0 : i32
      %dma_wait3A_225 = arith.constant 0 : i32
      %dma_wait3A_226 = arith.constant 0 : i32
      %dma_wait3A_227 = arith.constant 0 : i32
      %dma_wait3A_228 = arith.constant 0 : i32
      %dma_wait3A_229 = tpu.memref_slice %arg8[%dma_wait3A_223, %dma_wait3A_224, %dma_wait3A_227, %dma_wait3A_228] : memref<2x4x128x32xf32, #tpu.memory_space<vmem>> -> memref<1x1x128x32xf32, #tpu.memory_space<vmem>>
      %dma_wait3A_230 = tpu.memref_squeeze %dma_wait3A_229 : memref<1x1x128x32xf32, #tpu.memory_space<vmem>> -> memref<128x32xf32, #tpu.memory_space<vmem>>
      %dma_wait3A_231 = arith.constant 0 : i32
      %dma_wait3A_232 = tpu.memref_slice %arg6[%dma_wait3A_222, %dma_wait3A_231] : memref<8x128xi32, #tpu.memory_space<vmem>> -> memref<1x128xi32, #tpu.memory_space<vmem>>
      %dma_wait3A_233 = tpu.memref_squeeze %dma_wait3A_232 : memref<1x128xi32, #tpu.memory_space<vmem>> -> memref<128xi32, #tpu.memory_space<vmem>>
      %dma_wait3A_234 = arith.constant 0 : i32
      %dma_wait3A_235 = arith.constant 0 : i32
      %dma_wait3A_236 = tpu.memref_slice %arg2[%dma_wait3A_234, %dma_wait3A_235] : memref<87040x32xf32, #tpu.memory_space<hbm>> -> memref<87040x32xf32, #tpu.memory_space<hbm>>
      %dma_wait3A_237 = tpu.memref_slice %arg10[%dma_wait3A_225, %dma_wait3A_226] : memref<2x4x!tpu.dma_semaphore, #tpu.memory_space<semaphore_mem>> -> memref<1x1x!tpu.dma_semaphore, #tpu.memory_space<semaphore_mem>>
      %dma_wait3A_238 = tpu.memref_squeeze %dma_wait3A_237 : memref<1x1x!tpu.dma_semaphore, #tpu.memory_space<semaphore_mem>> -> memref<!tpu.dma_semaphore, #tpu.memory_space<semaphore_mem>>
      tpu.wait_indirect_dma semaphore(%dma_wait3A_238 : memref<!tpu.dma_semaphore, #tpu.memory_space<semaphore_mem>>) src(%dma_wait3A_236 : memref<87040x32xf32, #tpu.memory_space<hbm>>) dst(%dma_wait3A_230 : memref<128x32xf32, #tpu.memory_space<vmem>>)
      %dma_wait3A_239 = arith.constant 1 : i32
      %dma_wait3A_240 = arith.constant 0 : i32
      %dma_wait3A_241 = arith.constant 1 : i32
      %dma_wait3A_242 = arith.constant 0 : i32
      %dma_wait3A_243 = arith.constant 1 : i32
      %dma_wait3A_244 = arith.constant 0 : i32
      %dma_wait3A_245 = arith.constant 0 : i32
      %dma_wait3A_246 = tpu.memref_slice %arg8[%dma_wait3A_240, %dma_wait3A_241, %dma_wait3A_244, %dma_wait3A_245] : memref<2x4x128x32xf32, #tpu.memory_space<vmem>> -> memref<1x1x128x32xf32, #tpu.memory_space<vmem>>
      %dma_wait3A_247 = tpu.memref_squeeze %dma_wait3A_246 : memref<1x1x128x32xf32, #tpu.memory_space<vmem>> -> memref<128x32xf32, #tpu.memory_space<vmem>>
      %dma_wait3A_248 = arith.constant 0 : i32
      %dma_wait3A_249 = tpu.memref_slice %arg6[%dma_wait3A_239, %dma_wait3A_248] : memref<8x128xi32, #tpu.memory_space<vmem>> -> memref<1x128xi32, #tpu.memory_space<vmem>>
      %dma_wait3A_250 = tpu.memref_squeeze %dma_wait3A_249 : memref<1x128xi32, #tpu.memory_space<vmem>> -> memref<128xi32, #tpu.memory_space<vmem>>
      %dma_wait3A_251 = arith.constant 0 : i32
      %dma_wait3A_252 = arith.constant 0 : i32
      %dma_wait3A_253 = tpu.memref_slice %arg2[%dma_wait3A_251, %dma_wait3A_252] : memref<87040x32xf32, #tpu.memory_space<hbm>> -> memref<87040x32xf32, #tpu.memory_space<hbm>>
      %dma_wait3A_254 = tpu.memref_slice %arg10[%dma_wait3A_242, %dma_wait3A_243] : memref<2x4x!tpu.dma_semaphore, #tpu.memory_space<semaphore_mem>> -> memref<1x1x!tpu.dma_semaphore, #tpu.memory_space<semaphore_mem>>
      %dma_wait3A_255 = tpu.memref_squeeze %dma_wait3A_254 : memref<1x1x!tpu.dma_semaphore, #tpu.memory_space<semaphore_mem>> -> memref<!tpu.dma_semaphore, #tpu.memory_space<semaphore_mem>>
      tpu.wait_indirect_dma semaphore(%dma_wait3A_255 : memref<!tpu.dma_semaphore, #tpu.memory_space<semaphore_mem>>) src(%dma_wait3A_253 : memref<87040x32xf32, #tpu.memory_space<hbm>>) dst(%dma_wait3A_247 : memref<128x32xf32, #tpu.memory_space<vmem>>)
      %dma_wait3A_256 = arith.constant 2 : i32
      %dma_wait3A_257 = arith.constant 0 : i32
      %dma_wait3A_258 = arith.constant 2 : i32
      %dma_wait3A_259 = arith.constant 0 : i32
      %dma_wait3A_260 = arith.constant 2 : i32
      %dma_wait3A_261 = arith.constant 0 : i32
      %dma_wait3A_262 = arith.constant 0 : i32
      %dma_wait3A_263 = tpu.memref_slice %arg8[%dma_wait3A_257, %dma_wait3A_258, %dma_wait3A_261, %dma_wait3A_262] : memref<2x4x128x32xf32, #tpu.memory_space<vmem>> -> memref<1x1x128x32xf32, #tpu.memory_space<vmem>>
      %dma_wait3A_264 = tpu.memref_squeeze %dma_wait3A_263 : memref<1x1x128x32xf32, #tpu.memory_space<vmem>> -> memref<128x32xf32, #tpu.memory_space<vmem>>
      %dma_wait3A_265 = arith.constant 0 : i32
      %dma_wait3A_266 = tpu.memref_slice %arg6[%dma_wait3A_256, %dma_wait3A_265] : memref<8x128xi32, #tpu.memory_space<vmem>> -> memref<1x128xi32, #tpu.memory_space<vmem>>
      %dma_wait3A_267 = tpu.memref_squeeze %dma_wait3A_266 : memref<1x128xi32, #tpu.memory_space<vmem>> -> memref<128xi32, #tpu.memory_space<vmem>>
      %dma_wait3A_268 = arith.constant 0 : i32
      %dma_wait3A_269 = arith.constant 0 : i32
      %dma_wait3A_270 = tpu.memref_slice %arg2[%dma_wait3A_268, %dma_wait3A_269] : memref<87040x32xf32, #tpu.memory_space<hbm>> -> memref<87040x32xf32, #tpu.memory_space<hbm>>
      %dma_wait3A_271 = tpu.memref_slice %arg10[%dma_wait3A_259, %dma_wait3A_260] : memref<2x4x!tpu.dma_semaphore, #tpu.memory_space<semaphore_mem>> -> memref<1x1x!tpu.dma_semaphore, #tpu.memory_space<semaphore_mem>>
      %dma_wait3A_272 = tpu.memref_squeeze %dma_wait3A_271 : memref<1x1x!tpu.dma_semaphore, #tpu.memory_space<semaphore_mem>> -> memref<!tpu.dma_semaphore, #tpu.memory_space<semaphore_mem>>
      tpu.wait_indirect_dma semaphore(%dma_wait3A_272 : memref<!tpu.dma_semaphore, #tpu.memory_space<semaphore_mem>>) src(%dma_wait3A_270 : memref<87040x32xf32, #tpu.memory_space<hbm>>) dst(%dma_wait3A_264 : memref<128x32xf32, #tpu.memory_space<vmem>>)
      %dma_wait3A_273 = arith.constant 3 : i32
      %dma_wait3A_274 = arith.constant 0 : i32
      %dma_wait3A_275 = arith.constant 3 : i32
      %dma_wait3A_276 = arith.constant 0 : i32
      %dma_wait3A_277 = arith.constant 3 : i32
      %dma_wait3A_278 = arith.constant 0 : i32
      %dma_wait3A_279 = arith.constant 0 : i32
      %dma_wait3A_280 = tpu.memref_slice %arg8[%dma_wait3A_274, %dma_wait3A_275, %dma_wait3A_278, %dma_wait3A_279] : memref<2x4x128x32xf32, #tpu.memory_space<vmem>> -> memref<1x1x128x32xf32, #tpu.memory_space<vmem>>
      %dma_wait3A_281 = tpu.memref_squeeze %dma_wait3A_280 : memref<1x1x128x32xf32, #tpu.memory_space<vmem>> -> memref<128x32xf32, #tpu.memory_space<vmem>>
      %dma_wait3A_282 = arith.constant 0 : i32
      %dma_wait3A_283 = tpu.memref_slice %arg6[%dma_wait3A_273, %dma_wait3A_282] : memref<8x128xi32, #tpu.memory_space<vmem>> -> memref<1x128xi32, #tpu.memory_space<vmem>>
      %dma_wait3A_284 = tpu.memref_squeeze %dma_wait3A_283 : memref<1x128xi32, #tpu.memory_space<vmem>> -> memref<128xi32, #tpu.memory_space<vmem>>
      %dma_wait3A_285 = arith.constant 0 : i32
      %dma_wait3A_286 = arith.constant 0 : i32
      %dma_wait3A_287 = tpu.memref_slice %arg2[%dma_wait3A_285, %dma_wait3A_286] : memref<87040x32xf32, #tpu.memory_space<hbm>> -> memref<87040x32xf32, #tpu.memory_space<hbm>>
      %dma_wait3A_288 = tpu.memref_slice %arg10[%dma_wait3A_276, %dma_wait3A_277] : memref<2x4x!tpu.dma_semaphore, #tpu.memory_space<semaphore_mem>> -> memref<1x1x!tpu.dma_semaphore, #tpu.memory_space<semaphore_mem>>
      %dma_wait3A_289 = tpu.memref_squeeze %dma_wait3A_288 : memref<1x1x!tpu.dma_semaphore, #tpu.memory_space<semaphore_mem>> -> memref<!tpu.dma_semaphore, #tpu.memory_space<semaphore_mem>>
      tpu.wait_indirect_dma semaphore(%dma_wait3A_289 : memref<!tpu.dma_semaphore, #tpu.memory_space<semaphore_mem>>) src(%dma_wait3A_287 : memref<87040x32xf32, #tpu.memory_space<hbm>>) dst(%dma_wait3A_281 : memref<128x32xf32, #tpu.memory_space<vmem>>)
      %add3A_290 = arith.constant 1 : i32
      %add3A_291 = arith.addi %add3A_221, %add3A_290 : i32
      %lt3A = arith.constant 340 : i32
      %lt3A_292 = arith.cmpi slt, %add3A_291, %lt3A : i32
      %convert_element_type3A = arith.extui %lt3A_292 : i1 to i32
      %cond3A = arith.constant 0 : i32
      %cond3A_293 = arith.cmpi ne, %convert_element_type3A, %cond3A : i32
      scf.if %cond3A_293 {
        %dma_wait3A_810 = arith.constant 0 : i32
        %dma_wait3A_811 = arith.constant 1 : i32
        %dma_wait3A_812 = arith.constant 4 : i32
        %dma_wait3A_813 = arith.constant 0 : i32
        %dma_wait3A_814 = tpu.memref_slice %arg6[%dma_wait3A_812, %dma_wait3A_813] : memref<8x128xi32, #tpu.memory_space<vmem>> -> memref<4x128xi32, #tpu.memory_space<vmem>>
        %dma_wait3A_815 = arith.constant 0 : i32
        %dma_wait3A_816 = arith.constant 0 : i32
        %dma_wait3A_817 = tpu.memref_slice %arg3[%dma_wait3A_810, %dma_wait3A_815, %dma_wait3A_816] : memref<10880x4x128xi32, #tpu.memory_space<hbm>> -> memref<1x4x128xi32, #tpu.memory_space<hbm>>
        %dma_wait3A_818 = tpu.memref_squeeze %dma_wait3A_817 : memref<1x4x128xi32, #tpu.memory_space<hbm>> -> memref<4x128xi32, #tpu.memory_space<hbm>>
        %dma_wait3A_819 = tpu.memref_slice %arg11[%dma_wait3A_811] : memref<2x!tpu.dma_semaphore, #tpu.memory_space<semaphore_mem>> -> memref<1x!tpu.dma_semaphore, #tpu.memory_space<semaphore_mem>>
        %dma_wait3A_820 = tpu.memref_squeeze %dma_wait3A_819 : memref<1x!tpu.dma_semaphore, #tpu.memory_space<semaphore_mem>> -> memref<!tpu.dma_semaphore, #tpu.memory_space<semaphore_mem>>
        %dma_wait3A_821 = arith.constant 4 : i32
        %dma_wait3A_822 = arith.constant 0 : i32
        %dma_wait3A_823 = tpu.memref_slice %arg6[%dma_wait3A_821, %dma_wait3A_822] : memref<8x128xi32, #tpu.memory_space<vmem>> -> memref<4x128xi32, #tpu.memory_space<vmem>>
        %dma_wait3A_824 = arith.constant 0 : i32
        %dma_wait3A_825 = arith.constant 0 : i32
        %dma_wait3A_826 = tpu.memref_slice %arg3[%dma_wait3A_810, %dma_wait3A_824, %dma_wait3A_825] : memref<10880x4x128xi32, #tpu.memory_space<hbm>> -> memref<1x4x128xi32, #tpu.memory_space<hbm>>
        %dma_wait3A_827 = tpu.memref_squeeze %dma_wait3A_826 : memref<1x4x128xi32, #tpu.memory_space<hbm>> -> memref<4x128xi32, #tpu.memory_space<hbm>>
        tpu.wait_dma2 semaphore(%dma_wait3A_820 : memref<!tpu.dma_semaphore, #tpu.memory_space<semaphore_mem>>) src(%dma_wait3A_827 : memref<4x128xi32, #tpu.memory_space<hbm>>) dst(%dma_wait3A_823 : memref<4x128xi32, #tpu.memory_space<vmem>>)
        %dma_wait3A_828 = arith.constant 0 : i32
        %dma_wait3A_829 = arith.constant 1 : i32
        %dma_wait3A_830 = arith.constant 1 : i32
        %dma_wait3A_831 = arith.constant 0 : i32
        %dma_wait3A_832 = tpu.memref_slice %arg7[%dma_wait3A_829, %dma_wait3A_831] : memref<2x512xf32, #tpu.memory_space<vmem>> -> memref<1x512xf32, #tpu.memory_space<vmem>>
        %dma_wait3A_833 = tpu.memref_squeeze %dma_wait3A_832 : memref<1x512xf32, #tpu.memory_space<vmem>> -> memref<512xf32, #tpu.memory_space<vmem>>
        %dma_wait3A_834 = arith.constant 0 : i32
        %dma_wait3A_835 = tpu.memref_slice %arg4[%dma_wait3A_828, %dma_wait3A_834] : memref<10880x512xf32, #tpu.memory_space<hbm>> -> memref<1x512xf32, #tpu.memory_space<hbm>>
        %dma_wait3A_836 = tpu.memref_squeeze %dma_wait3A_835 : memref<1x512xf32, #tpu.memory_space<hbm>> -> memref<512xf32, #tpu.memory_space<hbm>>
        %dma_wait3A_837 = tpu.memref_slice %arg11[%dma_wait3A_830] : memref<2x!tpu.dma_semaphore, #tpu.memory_space<semaphore_mem>> -> memref<1x!tpu.dma_semaphore, #tpu.memory_space<semaphore_mem>>
        %dma_wait3A_838 = tpu.memref_squeeze %dma_wait3A_837 : memref<1x!tpu.dma_semaphore, #tpu.memory_space<semaphore_mem>> -> memref<!tpu.dma_semaphore, #tpu.memory_space<semaphore_mem>>
        %dma_wait3A_839 = arith.constant 0 : i32
        %dma_wait3A_840 = tpu.memref_slice %arg7[%dma_wait3A_829, %dma_wait3A_839] : memref<2x512xf32, #tpu.memory_space<vmem>> -> memref<1x512xf32, #tpu.memory_space<vmem>>
        %dma_wait3A_841 = tpu.memref_squeeze %dma_wait3A_840 : memref<1x512xf32, #tpu.memory_space<vmem>> -> memref<512xf32, #tpu.memory_space<vmem>>
        %dma_wait3A_842 = arith.constant 0 : i32
        %dma_wait3A_843 = tpu.memref_slice %arg4[%dma_wait3A_828, %dma_wait3A_842] : memref<10880x512xf32, #tpu.memory_space<hbm>> -> memref<1x512xf32, #tpu.memory_space<hbm>>
        %dma_wait3A_844 = tpu.memref_squeeze %dma_wait3A_843 : memref<1x512xf32, #tpu.memory_space<hbm>> -> memref<512xf32, #tpu.memory_space<hbm>>
        tpu.wait_dma2 semaphore(%dma_wait3A_838 : memref<!tpu.dma_semaphore, #tpu.memory_space<semaphore_mem>>) src(%dma_wait3A_844 : memref<512xf32, #tpu.memory_space<hbm>>) dst(%dma_wait3A_841 : memref<512xf32, #tpu.memory_space<vmem>>)
        %dma_start3A_845 = arith.constant 4 : i32
        %dma_start3A_846 = arith.constant 1 : i32
        %dma_start3A_847 = arith.constant 0 : i32
        %dma_start3A_848 = arith.constant 1 : i32
        %dma_start3A_849 = arith.constant 0 : i32
        %dma_start3A_850 = arith.constant 0 : i32
        %dma_start3A_851 = arith.constant 0 : i32
        %dma_start3A_852 = tpu.memref_slice %arg8[%dma_start3A_846, %dma_start3A_847, %dma_start3A_850, %dma_start3A_851] : memref<2x4x128x32xf32, #tpu.memory_space<vmem>> -> memref<1x1x128x32xf32, #tpu.memory_space<vmem>>
        %dma_start3A_853 = tpu.memref_squeeze %dma_start3A_852 : memref<1x1x128x32xf32, #tpu.memory_space<vmem>> -> memref<128x32xf32, #tpu.memory_space<vmem>>
        %dma_start3A_854 = arith.constant 0 : i32
        %dma_start3A_855 = tpu.memref_slice %arg6[%dma_start3A_845, %dma_start3A_854] : memref<8x128xi32, #tpu.memory_space<vmem>> -> memref<1x128xi32, #tpu.memory_space<vmem>>
        %dma_start3A_856 = tpu.memref_squeeze %dma_start3A_855 : memref<1x128xi32, #tpu.memory_space<vmem>> -> memref<128xi32, #tpu.memory_space<vmem>>
        %dma_start3A_857 = arith.constant 0 : i32
        %dma_start3A_858 = arith.constant 0 : i32
        %dma_start3A_859 = tpu.memref_slice %arg2[%dma_start3A_857, %dma_start3A_858] : memref<87040x32xf32, #tpu.memory_space<hbm>> -> memref<87040x32xf32, #tpu.memory_space<hbm>>
        %dma_start3A_860 = tpu.memref_slice %arg10[%dma_start3A_848, %dma_start3A_849] : memref<2x4x!tpu.dma_semaphore, #tpu.memory_space<semaphore_mem>> -> memref<1x1x!tpu.dma_semaphore, #tpu.memory_space<semaphore_mem>>
        %dma_start3A_861 = tpu.memref_squeeze %dma_start3A_860 : memref<1x1x!tpu.dma_semaphore, #tpu.memory_space<semaphore_mem>> -> memref<!tpu.dma_semaphore, #tpu.memory_space<semaphore_mem>>
        tpu.enqueue_indirect_dma source(%dma_start3A_859 : memref<87040x32xf32, #tpu.memory_space<hbm>>) target(%dma_start3A_853 : memref<128x32xf32, #tpu.memory_space<vmem>>) offsets(%dma_start3A_856 : memref<128xi32, #tpu.memory_space<vmem>>) semaphore(%dma_start3A_861 : memref<!tpu.dma_semaphore, #tpu.memory_space<semaphore_mem>>)
        %dma_start3A_862 = arith.constant 5 : i32
        %dma_start3A_863 = arith.constant 1 : i32
        %dma_start3A_864 = arith.constant 1 : i32
        %dma_start3A_865 = arith.constant 1 : i32
        %dma_start3A_866 = arith.constant 1 : i32
        %dma_start3A_867 = arith.constant 0 : i32
        %dma_start3A_868 = arith.constant 0 : i32
        %dma_start3A_869 = tpu.memref_slice %arg8[%dma_start3A_863, %dma_start3A_864, %dma_start3A_867, %dma_start3A_868] : memref<2x4x128x32xf32, #tpu.memory_space<vmem>> -> memref<1x1x128x32xf32, #tpu.memory_space<vmem>>
        %dma_start3A_870 = tpu.memref_squeeze %dma_start3A_869 : memref<1x1x128x32xf32, #tpu.memory_space<vmem>> -> memref<128x32xf32, #tpu.memory_space<vmem>>
        %dma_start3A_871 = arith.constant 0 : i32
        %dma_start3A_872 = tpu.memref_slice %arg6[%dma_start3A_862, %dma_start3A_871] : memref<8x128xi32, #tpu.memory_space<vmem>> -> memref<1x128xi32, #tpu.memory_space<vmem>>
        %dma_start3A_873 = tpu.memref_squeeze %dma_start3A_872 : memref<1x128xi32, #tpu.memory_space<vmem>> -> memref<128xi32, #tpu.memory_space<vmem>>
        %dma_start3A_874 = arith.constant 0 : i32
        %dma_start3A_875 = arith.constant 0 : i32
        %dma_start3A_876 = tpu.memref_slice %arg2[%dma_start3A_874, %dma_start3A_875] : memref<87040x32xf32, #tpu.memory_space<hbm>> -> memref<87040x32xf32, #tpu.memory_space<hbm>>
        %dma_start3A_877 = tpu.memref_slice %arg10[%dma_start3A_865, %dma_start3A_866] : memref<2x4x!tpu.dma_semaphore, #tpu.memory_space<semaphore_mem>> -> memref<1x1x!tpu.dma_semaphore, #tpu.memory_space<semaphore_mem>>
        %dma_start3A_878 = tpu.memref_squeeze %dma_start3A_877 : memref<1x1x!tpu.dma_semaphore, #tpu.memory_space<semaphore_mem>> -> memref<!tpu.dma_semaphore, #tpu.memory_space<semaphore_mem>>
        tpu.enqueue_indirect_dma source(%dma_start3A_876 : memref<87040x32xf32, #tpu.memory_space<hbm>>) target(%dma_start3A_870 : memref<128x32xf32, #tpu.memory_space<vmem>>) offsets(%dma_start3A_873 : memref<128xi32, #tpu.memory_space<vmem>>) semaphore(%dma_start3A_878 : memref<!tpu.dma_semaphore, #tpu.memory_space<semaphore_mem>>)
        %dma_start3A_879 = arith.constant 6 : i32
        %dma_start3A_880 = arith.constant 1 : i32
        %dma_start3A_881 = arith.constant 2 : i32
        %dma_start3A_882 = arith.constant 1 : i32
        %dma_start3A_883 = arith.constant 2 : i32
        %dma_start3A_884 = arith.constant 0 : i32
        %dma_start3A_885 = arith.constant 0 : i32
        %dma_start3A_886 = tpu.memref_slice %arg8[%dma_start3A_880, %dma_start3A_881, %dma_start3A_884, %dma_start3A_885] : memref<2x4x128x32xf32, #tpu.memory_space<vmem>> -> memref<1x1x128x32xf32, #tpu.memory_space<vmem>>
        %dma_start3A_887 = tpu.memref_squeeze %dma_start3A_886 : memref<1x1x128x32xf32, #tpu.memory_space<vmem>> -> memref<128x32xf32, #tpu.memory_space<vmem>>
        %dma_start3A_888 = arith.constant 0 : i32
        %dma_start3A_889 = tpu.memref_slice %arg6[%dma_start3A_879, %dma_start3A_888] : memref<8x128xi32, #tpu.memory_space<vmem>> -> memref<1x128xi32, #tpu.memory_space<vmem>>
        %dma_start3A_890 = tpu.memref_squeeze %dma_start3A_889 : memref<1x128xi32, #tpu.memory_space<vmem>> -> memref<128xi32, #tpu.memory_space<vmem>>
        %dma_start3A_891 = arith.constant 0 : i32
        %dma_start3A_892 = arith.constant 0 : i32
        %dma_start3A_893 = tpu.memref_slice %arg2[%dma_start3A_891, %dma_start3A_892] : memref<87040x32xf32, #tpu.memory_space<hbm>> -> memref<87040x32xf32, #tpu.memory_space<hbm>>
        %dma_start3A_894 = tpu.memref_slice %arg10[%dma_start3A_882, %dma_start3A_883] : memref<2x4x!tpu.dma_semaphore, #tpu.memory_space<semaphore_mem>> -> memref<1x1x!tpu.dma_semaphore, #tpu.memory_space<semaphore_mem>>
        %dma_start3A_895 = tpu.memref_squeeze %dma_start3A_894 : memref<1x1x!tpu.dma_semaphore, #tpu.memory_space<semaphore_mem>> -> memref<!tpu.dma_semaphore, #tpu.memory_space<semaphore_mem>>
        tpu.enqueue_indirect_dma source(%dma_start3A_893 : memref<87040x32xf32, #tpu.memory_space<hbm>>) target(%dma_start3A_887 : memref<128x32xf32, #tpu.memory_space<vmem>>) offsets(%dma_start3A_890 : memref<128xi32, #tpu.memory_space<vmem>>) semaphore(%dma_start3A_895 : memref<!tpu.dma_semaphore, #tpu.memory_space<semaphore_mem>>)
        %dma_start3A_896 = arith.constant 7 : i32
        %dma_start3A_897 = arith.constant 1 : i32
        %dma_start3A_898 = arith.constant 3 : i32
        %dma_start3A_899 = arith.constant 1 : i32
        %dma_start3A_900 = arith.constant 3 : i32
        %dma_start3A_901 = arith.constant 0 : i32
        %dma_start3A_902 = arith.constant 0 : i32
        %dma_start3A_903 = tpu.memref_slice %arg8[%dma_start3A_897, %dma_start3A_898, %dma_start3A_901, %dma_start3A_902] : memref<2x4x128x32xf32, #tpu.memory_space<vmem>> -> memref<1x1x128x32xf32, #tpu.memory_space<vmem>>
        %dma_start3A_904 = tpu.memref_squeeze %dma_start3A_903 : memref<1x1x128x32xf32, #tpu.memory_space<vmem>> -> memref<128x32xf32, #tpu.memory_space<vmem>>
        %dma_start3A_905 = arith.constant 0 : i32
        %dma_start3A_906 = tpu.memref_slice %arg6[%dma_start3A_896, %dma_start3A_905] : memref<8x128xi32, #tpu.memory_space<vmem>> -> memref<1x128xi32, #tpu.memory_space<vmem>>
        %dma_start3A_907 = tpu.memref_squeeze %dma_start3A_906 : memref<1x128xi32, #tpu.memory_space<vmem>> -> memref<128xi32, #tpu.memory_space<vmem>>
        %dma_start3A_908 = arith.constant 0 : i32
        %dma_start3A_909 = arith.constant 0 : i32
        %dma_start3A_910 = tpu.memref_slice %arg2[%dma_start3A_908, %dma_start3A_909] : memref<87040x32xf32, #tpu.memory_space<hbm>> -> memref<87040x32xf32, #tpu.memory_space<hbm>>
        %dma_start3A_911 = tpu.memref_slice %arg10[%dma_start3A_899, %dma_start3A_900] : memref<2x4x!tpu.dma_semaphore, #tpu.memory_space<semaphore_mem>> -> memref<1x1x!tpu.dma_semaphore, #tpu.memory_space<semaphore_mem>>
        %dma_start3A_912 = tpu.memref_squeeze %dma_start3A_911 : memref<1x1x!tpu.dma_semaphore, #tpu.memory_space<semaphore_mem>> -> memref<!tpu.dma_semaphore, #tpu.memory_space<semaphore_mem>>
        tpu.enqueue_indirect_dma source(%dma_start3A_910 : memref<87040x32xf32, #tpu.memory_space<hbm>>) target(%dma_start3A_904 : memref<128x32xf32, #tpu.memory_space<vmem>>) offsets(%dma_start3A_907 : memref<128xi32, #tpu.memory_space<vmem>>) semaphore(%dma_start3A_912 : memref<!tpu.dma_semaphore, #tpu.memory_space<semaphore_mem>>)
      } else {
      }
      %ge3A = arith.constant 2 : i32
      %ge3A_294 = arith.cmpi sge, %add3A_221, %ge3A : i32
      %convert_element_type3A_295 = arith.extui %ge3A_294 : i1 to i32
      %cond3A_296 = arith.constant 0 : i32
      %cond3A_297 = arith.cmpi ne, %convert_element_type3A_295, %cond3A_296 : i32
      scf.if %cond3A_297 {
        %dma_wait3A_810 = arith.constant 0 : i32
        %dma_wait3A_811 = arith.constant 0 : i32
        %dma_wait3A_812 = arith.constant 0 : i32
        %dma_wait3A_813 = arith.constant 0 : i32
        %dma_wait3A_814 = tpu.memref_slice %arg9[%dma_wait3A_810, %dma_wait3A_813] : memref<2x256xf32, #tpu.memory_space<vmem>> -> memref<1x256xf32, #tpu.memory_space<vmem>>
        %dma_wait3A_815 = tpu.memref_squeeze %dma_wait3A_814 : memref<1x256xf32, #tpu.memory_space<vmem>> -> memref<256xf32, #tpu.memory_space<vmem>>
        %dma_wait3A_816 = arith.constant 0 : i32
        %dma_wait3A_817 = tpu.memref_slice %arg5[%dma_wait3A_811, %dma_wait3A_816] : memref<10880x256xf32, #tpu.memory_space<hbm>> -> memref<1x256xf32, #tpu.memory_space<hbm>>
        %dma_wait3A_818 = tpu.memref_squeeze %dma_wait3A_817 : memref<1x256xf32, #tpu.memory_space<hbm>> -> memref<256xf32, #tpu.memory_space<hbm>>
        %dma_wait3A_819 = tpu.memref_slice %arg12[%dma_wait3A_812] : memref<2x!tpu.dma_semaphore, #tpu.memory_space<semaphore_mem>> -> memref<1x!tpu.dma_semaphore, #tpu.memory_space<semaphore_mem>>
        %dma_wait3A_820 = tpu.memref_squeeze %dma_wait3A_819 : memref<1x!tpu.dma_semaphore, #tpu.memory_space<semaphore_mem>> -> memref<!tpu.dma_semaphore, #tpu.memory_space<semaphore_mem>>
        %dma_wait3A_821 = arith.constant 0 : i32
        %dma_wait3A_822 = tpu.memref_slice %arg5[%dma_wait3A_811, %dma_wait3A_821] : memref<10880x256xf32, #tpu.memory_space<hbm>> -> memref<1x256xf32, #tpu.memory_space<hbm>>
        %dma_wait3A_823 = tpu.memref_squeeze %dma_wait3A_822 : memref<1x256xf32, #tpu.memory_space<hbm>> -> memref<256xf32, #tpu.memory_space<hbm>>
        %dma_wait3A_824 = arith.constant 0 : i32
        %dma_wait3A_825 = tpu.memref_slice %arg9[%dma_wait3A_810, %dma_wait3A_824] : memref<2x256xf32, #tpu.memory_space<vmem>> -> memref<1x256xf32, #tpu.memory_space<vmem>>
        %dma_wait3A_826 = tpu.memref_squeeze %dma_wait3A_825 : memref<1x256xf32, #tpu.memory_space<vmem>> -> memref<256xf32, #tpu.memory_space<vmem>>
        tpu.wait_dma2 semaphore(%dma_wait3A_820 : memref<!tpu.dma_semaphore, #tpu.memory_space<semaphore_mem>>) src(%dma_wait3A_826 : memref<256xf32, #tpu.memory_space<vmem>>) dst(%dma_wait3A_823 : memref<256xf32, #tpu.memory_space<hbm>>)
      } else {
      }
      %get3A = arith.constant 0 : i32
      %get3A_298 = arith.constant 0 : i32
      %get3A_299 = arith.constant 0 : i32
      %get3A_300 = arith.index_cast %get3A : i32 to index
      %get3A_301 = arith.index_cast %get3A_298 : i32 to index
      %get3A_302 = arith.index_cast %get3A_299 : i32 to index
      %get3A_303 = arith.constant 0 : index
      %get3A_304 = tpu.vector_load %arg8[%get3A_300, %get3A_301, %get3A_302, %get3A_303] {strides = array<i32>} : memref<2x4x128x32xf32, #tpu.memory_space<vmem>>, vector<16xf32>,
      %swap3A = arith.constant 0 : i32
      %swap3A_305 = arith.index_cast %swap3A : i32 to index
      %swap3A_306 = arith.constant 0 : index
      %swap3A_307 = tpu.vector_load %arg9[%swap3A_305, %swap3A_306] {strides = array<i32>} : memref<2x256xf32, #tpu.memory_space<vmem>>, vector<16xf32>,
      tpu.vector_store %arg9[%swap3A_305, %swap3A_306], %get3A_304 {strides = array<i32>} : memref<2x256xf32, #tpu.memory_space<vmem>>, vector<16xf32>,
      %get3A_308 = arith.constant 0 : i32
      %get3A_309 = arith.constant 0 : i32
      %get3A_310 = arith.constant 0 : i32
      %get3A_311 = arith.index_cast %get3A_308 : i32 to index
      %get3A_312 = arith.index_cast %get3A_309 : i32 to index
      %get3A_313 = arith.index_cast %get3A_310 : i32 to index
      %get3A_314 = arith.constant 16 : index
      %get3A_315 = tpu.vector_load %arg8[%get3A_311, %get3A_312, %get3A_313, %get3A_314] {strides = array<i32>} : memref<2x4x128x32xf32, #tpu.memory_space<vmem>>, vector<16xf32>,
      %swap3A_316 = arith.constant 0 : i32
      %swap3A_317 = arith.index_cast %swap3A_316 : i32 to index
      %swap3A_318 = arith.constant 16 : index
      %swap3A_319 = tpu.vector_load %arg9[%swap3A_317, %swap3A_318] {strides = array<i32>} : memref<2x256xf32, #tpu.memory_space<vmem>>, vector<16xf32>,
      tpu.vector_store %arg9[%swap3A_317, %swap3A_318], %get3A_315 {strides = array<i32>} : memref<2x256xf32, #tpu.memory_space<vmem>>, vector<16xf32>,
      %get3A_320 = arith.constant 0 : i32
      %get3A_321 = arith.constant 0 : i32
      %get3A_322 = arith.constant 1 : i32
      %get3A_323 = arith.index_cast %get3A_320 : i32 to index
      %get3A_324 = arith.index_cast %get3A_321 : i32 to index
      %get3A_325 = arith.index_cast %get3A_322 : i32 to index
      %get3A_326 = arith.constant 0 : index
      %get3A_327 = tpu.vector_load %arg8[%get3A_323, %get3A_324, %get3A_325, %get3A_326] {strides = array<i32>} : memref<2x4x128x32xf32, #tpu.memory_space<vmem>>, vector<16xf32>,
      %swap3A_328 = arith.constant 0 : i32
      %swap3A_329 = arith.index_cast %swap3A_328 : i32 to index
      %swap3A_330 = arith.constant 32 : index
      %swap3A_331 = tpu.vector_load %arg9[%swap3A_329, %swap3A_330] {strides = array<i32>} : memref<2x256xf32, #tpu.memory_space<vmem>>, vector<16xf32>,
      tpu.vector_store %arg9[%swap3A_329, %swap3A_330], %get3A_327 {strides = array<i32>} : memref<2x256xf32, #tpu.memory_space<vmem>>, vector<16xf32>,
      %get3A_332 = arith.constant 0 : i32
      %get3A_333 = arith.constant 0 : i32
      %get3A_334 = arith.constant 1 : i32
      %get3A_335 = arith.index_cast %get3A_332 : i32 to index
      %get3A_336 = arith.index_cast %get3A_333 : i32 to index
      %get3A_337 = arith.index_cast %get3A_334 : i32 to index
      %get3A_338 = arith.constant 16 : index
      %get3A_339 = tpu.vector_load %arg8[%get3A_335, %get3A_336, %get3A_337, %get3A_338] {strides = array<i32>} : memref<2x4x128x32xf32, #tpu.memory_space<vmem>>, vector<16xf32>,
      %swap3A_340 = arith.constant 0 : i32
      %swap3A_341 = arith.index_cast %swap3A_340 : i32 to index
      %swap3A_342 = arith.constant 48 : index
      %swap3A_343 = tpu.vector_load %arg9[%swap3A_341, %swap3A_342] {strides = array<i32>} : memref<2x256xf32, #tpu.memory_space<vmem>>, vector<16xf32>,
      tpu.vector_store %arg9[%swap3A_341, %swap3A_342], %get3A_339 {strides = array<i32>} : memref<2x256xf32, #tpu.memory_space<vmem>>, vector<16xf32>,
      %get3A_344 = arith.constant 0 : i32
      %get3A_345 = arith.constant 0 : i32
      %get3A_346 = arith.constant 2 : i32
      %get3A_347 = arith.index_cast %get3A_344 : i32 to index
      %get3A_348 = arith.index_cast %get3A_345 : i32 to index
      %get3A_349 = arith.index_cast %get3A_346 : i32 to index
      %get3A_350 = arith.constant 0 : index
      %get3A_351 = tpu.vector_load %arg8[%get3A_347, %get3A_348, %get3A_349, %get3A_350] {strides = array<i32>} : memref<2x4x128x32xf32, #tpu.memory_space<vmem>>, vector<16xf32>,
      %swap3A_352 = arith.constant 0 : i32
      %swap3A_353 = arith.index_cast %swap3A_352 : i32 to index
      %swap3A_354 = arith.constant 64 : index
      %swap3A_355 = tpu.vector_load %arg9[%swap3A_353, %swap3A_354] {strides = array<i32>} : memref<2x256xf32, #tpu.memory_space<vmem>>, vector<16xf32>,
      tpu.vector_store %arg9[%swap3A_353, %swap3A_354], %get3A_351 {strides = array<i32>} : memref<2x256xf32, #tpu.memory_space<vmem>>, vector<16xf32>,
      %get3A_356 = arith.constant 0 : i32
      %get3A_357 = arith.constant 0 : i32
      %get3A_358 = arith.constant 2 : i32
      %get3A_359 = arith.index_cast %get3A_356 : i32 to index
      %get3A_360 = arith.index_cast %get3A_357 : i32 to index
      %get3A_361 = arith.index_cast %get3A_358 : i32 to index
      %get3A_362 = arith.constant 16 : index
      %get3A_363 = tpu.vector_load %arg8[%get3A_359, %get3A_360, %get3A_361, %get3A_362] {strides = array<i32>} : memref<2x4x128x32xf32, #tpu.memory_space<vmem>>, vector<16xf32>,
      %swap3A_364 = arith.constant 0 : i32
      %swap3A_365 = arith.index_cast %swap3A_364 : i32 to index
      %swap3A_366 = arith.constant 80 : index
      %swap3A_367 = tpu.vector_load %arg9[%swap3A_365, %swap3A_366] {strides = array<i32>} : memref<2x256xf32, #tpu.memory_space<vmem>>, vector<16xf32>,
      tpu.vector_store %arg9[%swap3A_365, %swap3A_366], %get3A_363 {strides = array<i32>} : memref<2x256xf32, #tpu.memory_space<vmem>>, vector<16xf32>,
      %get3A_368 = arith.constant 0 : i32
      %get3A_369 = arith.constant 0 : i32
      %get3A_370 = arith.constant 3 : i32
      %get3A_371 = arith.index_cast %get3A_368 : i32 to index
      %get3A_372 = arith.index_cast %get3A_369 : i32 to index
      %get3A_373 = arith.index_cast %get3A_370 : i32 to index
      %get3A_374 = arith.constant 0 : index
      %get3A_375 = tpu.vector_load %arg8[%get3A_371, %get3A_372, %get3A_373, %get3A_374] {strides = array<i32>} : memref<2x4x128x32xf32, #tpu.memory_space<vmem>>, vector<16xf32>,
      %swap3A_376 = arith.constant 0 : i32
      %swap3A_377 = arith.index_cast %swap3A_376 : i32 to index
      %swap3A_378 = arith.constant 96 : index
      %swap3A_379 = tpu.vector_load %arg9[%swap3A_377, %swap3A_378] {strides = array<i32>} : memref<2x256xf32, #tpu.memory_space<vmem>>, vector<16xf32>,
      tpu.vector_store %arg9[%swap3A_377, %swap3A_378], %get3A_375 {strides = array<i32>} : memref<2x256xf32, #tpu.memory_space<vmem>>, vector<16xf32>,
      %get3A_380 = arith.constant 0 : i32
      %get3A_381 = arith.constant 0 : i32
      %get3A_382 = arith.constant 3 : i32
      %get3A_383 = arith.index_cast %get3A_380 : i32 to index
      %get3A_384 = arith.index_cast %get3A_381 : i32 to index
      %get3A_385 = arith.index_cast %get3A_382 : i32 to index
      %get3A_386 = arith.constant 16 : index
      %get3A_387 = tpu.vector_load %arg8[%get3A_383, %get3A_384, %get3A_385, %get3A_386] {strides = array<i32>} : memref<2x4x128x32xf32, #tpu.memory_space<vmem>>, vector<16xf32>,
      %swap3A_388 = arith.constant 0 : i32
      %swap3A_389 = arith.index_cast %swap3A_388 : i32 to index
      %swap3A_390 = arith.constant 112 : index
      %swap3A_391 = tpu.vector_load %arg9[%swap3A_389, %swap3A_390] {strides = array<i32>} : memref<2x256xf32, #tpu.memory_space<vmem>>, vector<16xf32>,
      tpu.vector_store %arg9[%swap3A_389, %swap3A_390], %get3A_387 {strides = array<i32>} : memref<2x256xf32, #tpu.memory_space<vmem>>, vector<16xf32>,
      %get3A_392 = arith.constant 0 : i32
      %get3A_393 = arith.constant 0 : i32
      %get3A_394 = arith.constant 4 : i32
      %get3A_395 = arith.index_cast %get3A_392 : i32 to index
      %get3A_396 = arith.index_cast %get3A_393 : i32 to index
      %get3A_397 = arith.index_cast %get3A_394 : i32 to index
      %get3A_398 = arith.constant 0 : index
      %get3A_399 = tpu.vector_load %arg8[%get3A_395, %get3A_396, %get3A_397, %get3A_398] {strides = array<i32>} : memref<2x4x128x32xf32, #tpu.memory_space<vmem>>, vector<16xf32>,
      %swap3A_400 = arith.constant 0 : i32
      %swap3A_401 = arith.index_cast %swap3A_400 : i32 to index
      %swap3A_402 = arith.constant 128 : index
      %swap3A_403 = tpu.vector_load %arg9[%swap3A_401, %swap3A_402] {strides = array<i32>} : memref<2x256xf32, #tpu.memory_space<vmem>>, vector<16xf32>,
      tpu.vector_store %arg9[%swap3A_401, %swap3A_402], %get3A_399 {strides = array<i32>} : memref<2x256xf32, #tpu.memory_space<vmem>>, vector<16xf32>,
      %get3A_404 = arith.constant 0 : i32
      %get3A_405 = arith.constant 0 : i32
      %get3A_406 = arith.constant 4 : i32
      %get3A_407 = arith.index_cast %get3A_404 : i32 to index
      %get3A_408 = arith.index_cast %get3A_405 : i32 to index
      %get3A_409 = arith.index_cast %get3A_406 : i32 to index
      %get3A_410 = arith.constant 16 : index
      %get3A_411 = tpu.vector_load %arg8[%get3A_407, %get3A_408, %get3A_409, %get3A_410] {strides = array<i32>} : memref<2x4x128x32xf32, #tpu.memory_space<vmem>>, vector<16xf32>,
      %swap3A_412 = arith.constant 0 : i32
      %swap3A_413 = arith.index_cast %swap3A_412 : i32 to index
      %swap3A_414 = arith.constant 144 : index
      %swap3A_415 = tpu.vector_load %arg9[%swap3A_413, %swap3A_414] {strides = array<i32>} : memref<2x256xf32, #tpu.memory_space<vmem>>, vector<16xf32>,
      tpu.vector_store %arg9[%swap3A_413, %swap3A_414], %get3A_411 {strides = array<i32>} : memref<2x256xf32, #tpu.memory_space<vmem>>, vector<16xf32>,
      %get3A_416 = arith.constant 0 : i32
      %get3A_417 = arith.constant 0 : i32
      %get3A_418 = arith.constant 5 : i32
      %get3A_419 = arith.index_cast %get3A_416 : i32 to index
      %get3A_420 = arith.index_cast %get3A_417 : i32 to index
      %get3A_421 = arith.index_cast %get3A_418 : i32 to index
      %get3A_422 = arith.constant 0 : index
      %get3A_423 = tpu.vector_load %arg8[%get3A_419, %get3A_420, %get3A_421, %get3A_422] {strides = array<i32>} : memref<2x4x128x32xf32, #tpu.memory_space<vmem>>, vector<16xf32>,
      %swap3A_424 = arith.constant 0 : i32
      %swap3A_425 = arith.index_cast %swap3A_424 : i32 to index
      %swap3A_426 = arith.constant 160 : index
      %swap3A_427 = tpu.vector_load %arg9[%swap3A_425, %swap3A_426] {strides = array<i32>} : memref<2x256xf32, #tpu.memory_space<vmem>>, vector<16xf32>,
      tpu.vector_store %arg9[%swap3A_425, %swap3A_426], %get3A_423 {strides = array<i32>} : memref<2x256xf32, #tpu.memory_space<vmem>>, vector<16xf32>,
      %get3A_428 = arith.constant 0 : i32
      %get3A_429 = arith.constant 0 : i32
      %get3A_430 = arith.constant 5 : i32
      %get3A_431 = arith.index_cast %get3A_428 : i32 to index
      %get3A_432 = arith.index_cast %get3A_429 : i32 to index
      %get3A_433 = arith.index_cast %get3A_430 : i32 to index
      %get3A_434 = arith.constant 16 : index
      %get3A_435 = tpu.vector_load %arg8[%get3A_431, %get3A_432, %get3A_433, %get3A_434] {strides = array<i32>} : memref<2x4x128x32xf32, #tpu.memory_space<vmem>>, vector<16xf32>,
      %swap3A_436 = arith.constant 0 : i32
      %swap3A_437 = arith.index_cast %swap3A_436 : i32 to index
      %swap3A_438 = arith.constant 176 : index
      %swap3A_439 = tpu.vector_load %arg9[%swap3A_437, %swap3A_438] {strides = array<i32>} : memref<2x256xf32, #tpu.memory_space<vmem>>, vector<16xf32>,
      tpu.vector_store %arg9[%swap3A_437, %swap3A_438], %get3A_435 {strides = array<i32>} : memref<2x256xf32, #tpu.memory_space<vmem>>, vector<16xf32>,
      %get3A_440 = arith.constant 0 : i32
      %get3A_441 = arith.constant 0 : i32
      %get3A_442 = arith.constant 6 : i32
      %get3A_443 = arith.index_cast %get3A_440 : i32 to index
      %get3A_444 = arith.index_cast %get3A_441 : i32 to index
      %get3A_445 = arith.index_cast %get3A_442 : i32 to index
      %get3A_446 = arith.constant 0 : index
      %get3A_447 = tpu.vector_load %arg8[%get3A_443, %get3A_444, %get3A_445, %get3A_446] {strides = array<i32>} : memref<2x4x128x32xf32, #tpu.memory_space<vmem>>, vector<16xf32>,
      %swap3A_448 = arith.constant 0 : i32
      %swap3A_449 = arith.index_cast %swap3A_448 : i32 to index
      %swap3A_450 = arith.constant 192 : index
      %swap3A_451 = tpu.vector_load %arg9[%swap3A_449, %swap3A_450] {strides = array<i32>} : memref<2x256xf32, #tpu.memory_space<vmem>>, vector<16xf32>,
      tpu.vector_store %arg9[%swap3A_449, %swap3A_450], %get3A_447 {strides = array<i32>} : memref<2x256xf32, #tpu.memory_space<vmem>>, vector<16xf32>,
      %get3A_452 = arith.constant 0 : i32
      %get3A_453 = arith.constant 0 : i32
      %get3A_454 = arith.constant 6 : i32
      %get3A_455 = arith.index_cast %get3A_452 : i32 to index
      %get3A_456 = arith.index_cast %get3A_453 : i32 to index
      %get3A_457 = arith.index_cast %get3A_454 : i32 to index
      %get3A_458 = arith.constant 16 : index
      %get3A_459 = tpu.vector_load %arg8[%get3A_455, %get3A_456, %get3A_457, %get3A_458] {strides = array<i32>} : memref<2x4x128x32xf32, #tpu.memory_space<vmem>>, vector<16xf32>,
      %swap3A_460 = arith.constant 0 : i32
      %swap3A_461 = arith.index_cast %swap3A_460 : i32 to index
      %swap3A_462 = arith.constant 208 : index
      %swap3A_463 = tpu.vector_load %arg9[%swap3A_461, %swap3A_462] {strides = array<i32>} : memref<2x256xf32, #tpu.memory_space<vmem>>, vector<16xf32>,
      tpu.vector_store %arg9[%swap3A_461, %swap3A_462], %get3A_459 {strides = array<i32>} : memref<2x256xf32, #tpu.memory_space<vmem>>, vector<16xf32>,
      %get3A_464 = arith.constant 0 : i32
      %get3A_465 = arith.constant 0 : i32
      %get3A_466 = arith.constant 7 : i32
      %get3A_467 = arith.index_cast %get3A_464 : i32 to index
      %get3A_468 = arith.index_cast %get3A_465 : i32 to index
      %get3A_469 = arith.index_cast %get3A_466 : i32 to index
      %get3A_470 = arith.constant 0 : index
      %get3A_471 = tpu.vector_load %arg8[%get3A_467, %get3A_468, %get3A_469, %get3A_470] {strides = array<i32>} : memref<2x4x128x32xf32, #tpu.memory_space<vmem>>, vector<16xf32>,
      %swap3A_472 = arith.constant 0 : i32
      %swap3A_473 = arith.index_cast %swap3A_472 : i32 to index
      %swap3A_474 = arith.constant 224 : index
      %swap3A_475 = tpu.vector_load %arg9[%swap3A_473, %swap3A_474] {strides = array<i32>} : memref<2x256xf32, #tpu.memory_space<vmem>>, vector<16xf32>,
      tpu.vector_store %arg9[%swap3A_473, %swap3A_474], %get3A_471 {strides = array<i32>} : memref<2x256xf32, #tpu.memory_space<vmem>>, vector<16xf32>,
      %get3A_476 = arith.constant 0 : i32
      %get3A_477 = arith.constant 0 : i32
      %get3A_478 = arith.constant 7 : i32
      %get3A_479 = arith.index_cast %get3A_476 : i32 to index
      %get3A_480 = arith.index_cast %get3A_477 : i32 to index
      %get3A_481 = arith.index_cast %get3A_478 : i32 to index
      %get3A_482 = arith.constant 16 : index
      %get3A_483 = tpu.vector_load %arg8[%get3A_479, %get3A_480, %get3A_481, %get3A_482] {strides = array<i32>} : memref<2x4x128x32xf32, #tpu.memory_space<vmem>>, vector<16xf32>,
      %swap3A_484 = arith.constant 0 : i32
      %swap3A_485 = arith.index_cast %swap3A_484 : i32 to index
      %swap3A_486 = arith.constant 240 : index
      %swap3A_487 = tpu.vector_load %arg9[%swap3A_485, %swap3A_486] {strides = array<i32>} : memref<2x256xf32, #tpu.memory_space<vmem>>, vector<16xf32>,
      tpu.vector_store %arg9[%swap3A_485, %swap3A_486], %get3A_483 {strides = array<i32>} : memref<2x256xf32, #tpu.memory_space<vmem>>, vector<16xf32>,
      %add3A_488 = arith.addi %mul3A_2, %add3A_221 : i32
      %dma_start3A_489 = arith.constant 0 : i32
      %dma_start3A_490 = arith.constant 0 : i32
      %dma_start3A_491 = arith.constant 0 : i32
      %dma_start3A_492 = tpu.memref_slice %arg9[%dma_start3A_489, %dma_start3A_491] : memref<2x256xf32, #tpu.memory_space<vmem>> -> memref<1x256xf32, #tpu.memory_space<vmem>>
      %dma_start3A_493 = tpu.memref_squeeze %dma_start3A_492 : memref<1x256xf32, #tpu.memory_space<vmem>> -> memref<256xf32, #tpu.memory_space<vmem>>
      %dma_start3A_494 = arith.constant 0 : i32
      %dma_start3A_495 = tpu.memref_slice %arg5[%add3A_488, %dma_start3A_494] : memref<10880x256xf32, #tpu.memory_space<hbm>> -> memref<1x256xf32, #tpu.memory_space<hbm>>
      %dma_start3A_496 = tpu.memref_squeeze %dma_start3A_495 : memref<1x256xf32, #tpu.memory_space<hbm>> -> memref<256xf32, #tpu.memory_space<hbm>>
      %dma_start3A_497 = tpu.memref_slice %arg12[%dma_start3A_490] : memref<2x!tpu.dma_semaphore, #tpu.memory_space<semaphore_mem>> -> memref<1x!tpu.dma_semaphore, #tpu.memory_space<semaphore_mem>>
      %dma_start3A_498 = tpu.memref_squeeze %dma_start3A_497 : memref<1x!tpu.dma_semaphore, #tpu.memory_space<semaphore_mem>> -> memref<!tpu.dma_semaphore, #tpu.memory_space<semaphore_mem>>
      %dma_start3A_499 = arith.constant 0 : i32
      %dma_start3A_500 = tpu.memref_slice %arg5[%add3A_488, %dma_start3A_499] : memref<10880x256xf32, #tpu.memory_space<hbm>> -> memref<1x256xf32, #tpu.memory_space<hbm>>
      %dma_start3A_501 = tpu.memref_squeeze %dma_start3A_500 : memref<1x256xf32, #tpu.memory_space<hbm>> -> memref<256xf32, #tpu.memory_space<hbm>>
      %dma_start3A_502 = arith.constant 0 : i32
      %dma_start3A_503 = tpu.memref_slice %arg9[%dma_start3A_489, %dma_start3A_502] : memref<2x256xf32, #tpu.memory_space<vmem>> -> memref<1x256xf32, #tpu.memory_space<vmem>>
      %dma_start3A_504 = tpu.memref_squeeze %dma_start3A_503 : memref<1x256xf32, #tpu.memory_space<vmem>> -> memref<256xf32, #tpu.memory_space<vmem>>
      tpu.enqueue_dma source(%dma_start3A_504 : memref<256xf32, #tpu.memory_space<vmem>>) target(%dma_start3A_501 : memref<256xf32, #tpu.memory_space<hbm>>) target_semaphore(%dma_start3A_498 : memref<!tpu.dma_semaphore, #tpu.memory_space<semaphore_mem>>)
      %add3A_505 = arith.constant 2 : i32
      %add3A_506 = arith.addi %add3A_221, %add3A_505 : i32
      %lt3A_507 = arith.constant 340 : i32
      %lt3A_508 = arith.cmpi slt, %add3A_506, %lt3A_507 : i32
      %convert_element_type3A_509 = arith.extui %lt3A_508 : i1 to i32
      %cond3A_510 = arith.constant 0 : i32
      %cond3A_511 = arith.cmpi ne, %convert_element_type3A_509, %cond3A_510 : i32
      scf.if %cond3A_511 {
        %add3A_810 = arith.constant 2 : i32
        %add3A_811 = arith.addi %add3A_221, %add3A_810 : i32
        %add3A_812 = arith.addi %mul3A_2, %add3A_811 : i32
        %dma_start3A_813 = arith.constant 0 : i32
        %dma_start3A_814 = arith.constant 0 : i32
        %dma_start3A_815 = arith.constant 0 : i32
        %dma_start3A_816 = tpu.memref_slice %arg6[%dma_start3A_814, %dma_start3A_815] : memref<8x128xi32, #tpu.memory_space<vmem>> -> memref<4x128xi32, #tpu.memory_space<vmem>>
        %dma_start3A_817 = arith.constant 0 : i32
        %dma_start3A_818 = arith.constant 0 : i32
        %dma_start3A_819 = tpu.memref_slice %arg3[%add3A_812, %dma_start3A_817, %dma_start3A_818] : memref<10880x4x128xi32, #tpu.memory_space<hbm>> -> memref<1x4x128xi32, #tpu.memory_space<hbm>>
        %dma_start3A_820 = tpu.memref_squeeze %dma_start3A_819 : memref<1x4x128xi32, #tpu.memory_space<hbm>> -> memref<4x128xi32, #tpu.memory_space<hbm>>
        %dma_start3A_821 = tpu.memref_slice %arg11[%dma_start3A_813] : memref<2x!tpu.dma_semaphore, #tpu.memory_space<semaphore_mem>> -> memref<1x!tpu.dma_semaphore, #tpu.memory_space<semaphore_mem>>
        %dma_start3A_822 = tpu.memref_squeeze %dma_start3A_821 : memref<1x!tpu.dma_semaphore, #tpu.memory_space<semaphore_mem>> -> memref<!tpu.dma_semaphore, #tpu.memory_space<semaphore_mem>>
        %dma_start3A_823 = arith.constant 0 : i32
        %dma_start3A_824 = arith.constant 0 : i32
        %dma_start3A_825 = tpu.memref_slice %arg6[%dma_start3A_823, %dma_start3A_824] : memref<8x128xi32, #tpu.memory_space<vmem>> -> memref<4x128xi32, #tpu.memory_space<vmem>>
        %dma_start3A_826 = arith.constant 0 : i32
        %dma_start3A_827 = arith.constant 0 : i32
        %dma_start3A_828 = tpu.memref_slice %arg3[%add3A_812, %dma_start3A_826, %dma_start3A_827] : memref<10880x4x128xi32, #tpu.memory_space<hbm>> -> memref<1x4x128xi32, #tpu.memory_space<hbm>>
        %dma_start3A_829 = tpu.memref_squeeze %dma_start3A_828 : memref<1x4x128xi32, #tpu.memory_space<hbm>> -> memref<4x128xi32, #tpu.memory_space<hbm>>
        tpu.enqueue_dma source(%dma_start3A_829 : memref<4x128xi32, #tpu.memory_space<hbm>>) target(%dma_start3A_825 : memref<4x128xi32, #tpu.memory_space<vmem>>) target_semaphore(%dma_start3A_822 : memref<!tpu.dma_semaphore, #tpu.memory_space<semaphore_mem>>)
        %add3A_830 = arith.addi %mul3A_2, %add3A_811 : i32
        %dma_start3A_831 = arith.constant 0 : i32
        %dma_start3A_832 = arith.constant 0 : i32
        %dma_start3A_833 = arith.constant 0 : i32
        %dma_start3A_834 = tpu.memref_slice %arg7[%dma_start3A_831, %dma_start3A_833] : memref<2x512xf32, #tpu.memory_space<vmem>> -> memref<1x512xf32, #tpu.memory_space<vmem>>
        %dma_start3A_835 = tpu.memref_squeeze %dma_start3A_834 : memref<1x512xf32, #tpu.memory_space<vmem>> -> memref<512xf32, #tpu.memory_space<vmem>>
        %dma_start3A_836 = arith.constant 0 : i32
        %dma_start3A_837 = tpu.memref_slice %arg4[%add3A_830, %dma_start3A_836] : memref<10880x512xf32, #tpu.memory_space<hbm>> -> memref<1x512xf32, #tpu.memory_space<hbm>>
        %dma_start3A_838 = tpu.memref_squeeze %dma_start3A_837 : memref<1x512xf32, #tpu.memory_space<hbm>> -> memref<512xf32, #tpu.memory_space<hbm>>
        %dma_start3A_839 = tpu.memref_slice %arg11[%dma_start3A_832] : memref<2x!tpu.dma_semaphore, #tpu.memory_space<semaphore_mem>> -> memref<1x!tpu.dma_semaphore, #tpu.memory_space<semaphore_mem>>
        %dma_start3A_840 = tpu.memref_squeeze %dma_start3A_839 : memref<1x!tpu.dma_semaphore, #tpu.memory_space<semaphore_mem>> -> memref<!tpu.dma_semaphore, #tpu.memory_space<semaphore_mem>>
        %dma_start3A_841 = arith.constant 0 : i32
        %dma_start3A_842 = tpu.memref_slice %arg7[%dma_start3A_831, %dma_start3A_841] : memref<2x512xf32, #tpu.memory_space<vmem>> -> memref<1x512xf32, #tpu.memory_space<vmem>>
        %dma_start3A_843 = tpu.memref_squeeze %dma_start3A_842 : memref<1x512xf32, #tpu.memory_space<vmem>> -> memref<512xf32, #tpu.memory_space<vmem>>
        %dma_start3A_844 = arith.constant 0 : i32
        %dma_start3A_845 = tpu.memref_slice %arg4[%add3A_830, %dma_start3A_844] : memref<10880x512xf32, #tpu.memory_space<hbm>> -> memref<1x512xf32, #tpu.memory_space<hbm>>
        %dma_start3A_846 = tpu.memref_squeeze %dma_start3A_845 : memref<1x512xf32, #tpu.memory_space<hbm>> -> memref<512xf32, #tpu.memory_space<hbm>>
        tpu.enqueue_dma source(%dma_start3A_846 : memref<512xf32, #tpu.memory_space<hbm>>) target(%dma_start3A_843 : memref<512xf32, #tpu.memory_space<vmem>>) target_semaphore(%dma_start3A_840 : memref<!tpu.dma_semaphore, #tpu.memory_space<semaphore_mem>>)
      } else {
      }
      %add3A_512 = arith.constant 1 : i32
      %add3A_513 = arith.addi %mul3A_219, %add3A_512 : i32
      %dma_wait3A_514 = arith.constant 4 : i32
      %dma_wait3A_515 = arith.constant 1 : i32
      %dma_wait3A_516 = arith.constant 0 : i32
      %dma_wait3A_517 = arith.constant 1 : i32
      %dma_wait3A_518 = arith.constant 0 : i32
      %dma_wait3A_519 = arith.constant 0 : i32
      %dma_wait3A_520 = arith.constant 0 : i32
      %dma_wait3A_521 = tpu.memref_slice %arg8[%dma_wait3A_515, %dma_wait3A_516, %dma_wait3A_519, %dma_wait3A_520] : memref<2x4x128x32xf32, #tpu.memory_space<vmem>> -> memref<1x1x128x32xf32, #tpu.memory_space<vmem>>
      %dma_wait3A_522 = tpu.memref_squeeze %dma_wait3A_521 : memref<1x1x128x32xf32, #tpu.memory_space<vmem>> -> memref<128x32xf32, #tpu.memory_space<vmem>>
      %dma_wait3A_523 = arith.constant 0 : i32
      %dma_wait3A_524 = tpu.memref_slice %arg6[%dma_wait3A_514, %dma_wait3A_523] : memref<8x128xi32, #tpu.memory_space<vmem>> -> memref<1x128xi32, #tpu.memory_space<vmem>>
      %dma_wait3A_525 = tpu.memref_squeeze %dma_wait3A_524 : memref<1x128xi32, #tpu.memory_space<vmem>> -> memref<128xi32, #tpu.memory_space<vmem>>
      %dma_wait3A_526 = arith.constant 0 : i32
      %dma_wait3A_527 = arith.constant 0 : i32
      %dma_wait3A_528 = tpu.memref_slice %arg2[%dma_wait3A_526, %dma_wait3A_527] : memref<87040x32xf32, #tpu.memory_space<hbm>> -> memref<87040x32xf32, #tpu.memory_space<hbm>>
      %dma_wait3A_529 = tpu.memref_slice %arg10[%dma_wait3A_517, %dma_wait3A_518] : memref<2x4x!tpu.dma_semaphore, #tpu.memory_space<semaphore_mem>> -> memref<1x1x!tpu.dma_semaphore, #tpu.memory_space<semaphore_mem>>
      %dma_wait3A_530 = tpu.memref_squeeze %dma_wait3A_529 : memref<1x1x!tpu.dma_semaphore, #tpu.memory_space<semaphore_mem>> -> memref<!tpu.dma_semaphore, #tpu.memory_space<semaphore_mem>>
      tpu.wait_indirect_dma semaphore(%dma_wait3A_530 : memref<!tpu.dma_semaphore, #tpu.memory_space<semaphore_mem>>) src(%dma_wait3A_528 : memref<87040x32xf32, #tpu.memory_space<hbm>>) dst(%dma_wait3A_522 : memref<128x32xf32, #tpu.memory_space<vmem>>)
      %dma_wait3A_531 = arith.constant 5 : i32
      %dma_wait3A_532 = arith.constant 1 : i32
      %dma_wait3A_533 = arith.constant 1 : i32
      %dma_wait3A_534 = arith.constant 1 : i32
      %dma_wait3A_535 = arith.constant 1 : i32
      %dma_wait3A_536 = arith.constant 0 : i32
      %dma_wait3A_537 = arith.constant 0 : i32
      %dma_wait3A_538 = tpu.memref_slice %arg8[%dma_wait3A_532, %dma_wait3A_533, %dma_wait3A_536, %dma_wait3A_537] : memref<2x4x128x32xf32, #tpu.memory_space<vmem>> -> memref<1x1x128x32xf32, #tpu.memory_space<vmem>>
      %dma_wait3A_539 = tpu.memref_squeeze %dma_wait3A_538 : memref<1x1x128x32xf32, #tpu.memory_space<vmem>> -> memref<128x32xf32, #tpu.memory_space<vmem>>
      %dma_wait3A_540 = arith.constant 0 : i32
      %dma_wait3A_541 = tpu.memref_slice %arg6[%dma_wait3A_531, %dma_wait3A_540] : memref<8x128xi32, #tpu.memory_space<vmem>> -> memref<1x128xi32, #tpu.memory_space<vmem>>
      %dma_wait3A_542 = tpu.memref_squeeze %dma_wait3A_541 : memref<1x128xi32, #tpu.memory_space<vmem>> -> memref<128xi32, #tpu.memory_space<vmem>>
      %dma_wait3A_543 = arith.constant 0 : i32
      %dma_wait3A_544 = arith.constant 0 : i32
      %dma_wait3A_545 = tpu.memref_slice %arg2[%dma_wait3A_543, %dma_wait3A_544] : memref<87040x32xf32, #tpu.memory_space<hbm>> -> memref<87040x32xf32, #tpu.memory_space<hbm>>
      %dma_wait3A_546 = tpu.memref_slice %arg10[%dma_wait3A_534, %dma_wait3A_535] : memref<2x4x!tpu.dma_semaphore, #tpu.memory_space<semaphore_mem>> -> memref<1x1x!tpu.dma_semaphore, #tpu.memory_space<semaphore_mem>>
      %dma_wait3A_547 = tpu.memref_squeeze %dma_wait3A_546 : memref<1x1x!tpu.dma_semaphore, #tpu.memory_space<semaphore_mem>> -> memref<!tpu.dma_semaphore, #tpu.memory_space<semaphore_mem>>
      tpu.wait_indirect_dma semaphore(%dma_wait3A_547 : memref<!tpu.dma_semaphore, #tpu.memory_space<semaphore_mem>>) src(%dma_wait3A_545 : memref<87040x32xf32, #tpu.memory_space<hbm>>) dst(%dma_wait3A_539 : memref<128x32xf32, #tpu.memory_space<vmem>>)
      %dma_wait3A_548 = arith.constant 6 : i32
      %dma_wait3A_549 = arith.constant 1 : i32
      %dma_wait3A_550 = arith.constant 2 : i32
      %dma_wait3A_551 = arith.constant 1 : i32
      %dma_wait3A_552 = arith.constant 2 : i32
      %dma_wait3A_553 = arith.constant 0 : i32
      %dma_wait3A_554 = arith.constant 0 : i32
      %dma_wait3A_555 = tpu.memref_slice %arg8[%dma_wait3A_549, %dma_wait3A_550, %dma_wait3A_553, %dma_wait3A_554] : memref<2x4x128x32xf32, #tpu.memory_space<vmem>> -> memref<1x1x128x32xf32, #tpu.memory_space<vmem>>
      %dma_wait3A_556 = tpu.memref_squeeze %dma_wait3A_555 : memref<1x1x128x32xf32, #tpu.memory_space<vmem>> -> memref<128x32xf32, #tpu.memory_space<vmem>>
      %dma_wait3A_557 = arith.constant 0 : i32
      %dma_wait3A_558 = tpu.memref_slice %arg6[%dma_wait3A_548, %dma_wait3A_557] : memref<8x128xi32, #tpu.memory_space<vmem>> -> memref<1x128xi32, #tpu.memory_space<vmem>>
      %dma_wait3A_559 = tpu.memref_squeeze %dma_wait3A_558 : memref<1x128xi32, #tpu.memory_space<vmem>> -> memref<128xi32, #tpu.memory_space<vmem>>
      %dma_wait3A_560 = arith.constant 0 : i32
      %dma_wait3A_561 = arith.constant 0 : i32
      %dma_wait3A_562 = tpu.memref_slice %arg2[%dma_wait3A_560, %dma_wait3A_561] : memref<87040x32xf32, #tpu.memory_space<hbm>> -> memref<87040x32xf32, #tpu.memory_space<hbm>>
      %dma_wait3A_563 = tpu.memref_slice %arg10[%dma_wait3A_551, %dma_wait3A_552] : memref<2x4x!tpu.dma_semaphore, #tpu.memory_space<semaphore_mem>> -> memref<1x1x!tpu.dma_semaphore, #tpu.memory_space<semaphore_mem>>
      %dma_wait3A_564 = tpu.memref_squeeze %dma_wait3A_563 : memref<1x1x!tpu.dma_semaphore, #tpu.memory_space<semaphore_mem>> -> memref<!tpu.dma_semaphore, #tpu.memory_space<semaphore_mem>>
      tpu.wait_indirect_dma semaphore(%dma_wait3A_564 : memref<!tpu.dma_semaphore, #tpu.memory_space<semaphore_mem>>) src(%dma_wait3A_562 : memref<87040x32xf32, #tpu.memory_space<hbm>>) dst(%dma_wait3A_556 : memref<128x32xf32, #tpu.memory_space<vmem>>)
      %dma_wait3A_565 = arith.constant 7 : i32
      %dma_wait3A_566 = arith.constant 1 : i32
      %dma_wait3A_567 = arith.constant 3 : i32
      %dma_wait3A_568 = arith.constant 1 : i32
      %dma_wait3A_569 = arith.constant 3 : i32
      %dma_wait3A_570 = arith.constant 0 : i32
      %dma_wait3A_571 = arith.constant 0 : i32
      %dma_wait3A_572 = tpu.memref_slice %arg8[%dma_wait3A_566, %dma_wait3A_567, %dma_wait3A_570, %dma_wait3A_571] : memref<2x4x128x32xf32, #tpu.memory_space<vmem>> -> memref<1x1x128x32xf32, #tpu.memory_space<vmem>>
      %dma_wait3A_573 = tpu.memref_squeeze %dma_wait3A_572 : memref<1x1x128x32xf32, #tpu.memory_space<vmem>> -> memref<128x32xf32, #tpu.memory_space<vmem>>
      %dma_wait3A_574 = arith.constant 0 : i32
      %dma_wait3A_575 = tpu.memref_slice %arg6[%dma_wait3A_565, %dma_wait3A_574] : memref<8x128xi32, #tpu.memory_space<vmem>> -> memref<1x128xi32, #tpu.memory_space<vmem>>
      %dma_wait3A_576 = tpu.memref_squeeze %dma_wait3A_575 : memref<1x128xi32, #tpu.memory_space<vmem>> -> memref<128xi32, #tpu.memory_space<vmem>>
      %dma_wait3A_577 = arith.constant 0 : i32
      %dma_wait3A_578 = arith.constant 0 : i32
      %dma_wait3A_579 = tpu.memref_slice %arg2[%dma_wait3A_577, %dma_wait3A_578] : memref<87040x32xf32, #tpu.memory_space<hbm>> -> memref<87040x32xf32, #tpu.memory_space<hbm>>
      %dma_wait3A_580 = tpu.memref_slice %arg10[%dma_wait3A_568, %dma_wait3A_569] : memref<2x4x!tpu.dma_semaphore, #tpu.memory_space<semaphore_mem>> -> memref<1x1x!tpu.dma_semaphore, #tpu.memory_space<semaphore_mem>>
      %dma_wait3A_581 = tpu.memref_squeeze %dma_wait3A_580 : memref<1x1x!tpu.dma_semaphore, #tpu.memory_space<semaphore_mem>> -> memref<!tpu.dma_semaphore, #tpu.memory_space<semaphore_mem>>
      tpu.wait_indirect_dma semaphore(%dma_wait3A_581 : memref<!tpu.dma_semaphore, #tpu.memory_space<semaphore_mem>>) src(%dma_wait3A_579 : memref<87040x32xf32, #tpu.memory_space<hbm>>) dst(%dma_wait3A_573 : memref<128x32xf32, #tpu.memory_space<vmem>>)
      %add3A_582 = arith.constant 1 : i32
      %add3A_583 = arith.addi %add3A_513, %add3A_582 : i32
      %lt3A_584 = arith.constant 340 : i32
      %lt3A_585 = arith.cmpi slt, %add3A_583, %lt3A_584 : i32
      %convert_element_type3A_586 = arith.extui %lt3A_585 : i1 to i32
      %cond3A_587 = arith.constant 0 : i32
      %cond3A_588 = arith.cmpi ne, %convert_element_type3A_586, %cond3A_587 : i32
      scf.if %cond3A_588 {
        %dma_wait3A_810 = arith.constant 0 : i32
        %dma_wait3A_811 = arith.constant 0 : i32
        %dma_wait3A_812 = arith.constant 0 : i32
        %dma_wait3A_813 = arith.constant 0 : i32
        %dma_wait3A_814 = tpu.memref_slice %arg6[%dma_wait3A_812, %dma_wait3A_813] : memref<8x128xi32, #tpu.memory_space<vmem>> -> memref<4x128xi32, #tpu.memory_space<vmem>>
        %dma_wait3A_815 = arith.constant 0 : i32
        %dma_wait3A_816 = arith.constant 0 : i32
        %dma_wait3A_817 = tpu.memref_slice %arg3[%dma_wait3A_810, %dma_wait3A_815, %dma_wait3A_816] : memref<10880x4x128xi32, #tpu.memory_space<hbm>> -> memref<1x4x128xi32, #tpu.memory_space<hbm>>
        %dma_wait3A_818 = tpu.memref_squeeze %dma_wait3A_817 : memref<1x4x128xi32, #tpu.memory_space<hbm>> -> memref<4x128xi32, #tpu.memory_space<hbm>>
        %dma_wait3A_819 = tpu.memref_slice %arg11[%dma_wait3A_811] : memref<2x!tpu.dma_semaphore, #tpu.memory_space<semaphore_mem>> -> memref<1x!tpu.dma_semaphore, #tpu.memory_space<semaphore_mem>>
        %dma_wait3A_820 = tpu.memref_squeeze %dma_wait3A_819 : memref<1x!tpu.dma_semaphore, #tpu.memory_space<semaphore_mem>> -> memref<!tpu.dma_semaphore, #tpu.memory_space<semaphore_mem>>
        %dma_wait3A_821 = arith.constant 0 : i32
        %dma_wait3A_822 = arith.constant 0 : i32
        %dma_wait3A_823 = tpu.memref_slice %arg6[%dma_wait3A_821, %dma_wait3A_822] : memref<8x128xi32, #tpu.memory_space<vmem>> -> memref<4x128xi32, #tpu.memory_space<vmem>>
        %dma_wait3A_824 = arith.constant 0 : i32
        %dma_wait3A_825 = arith.constant 0 : i32
        %dma_wait3A_826 = tpu.memref_slice %arg3[%dma_wait3A_810, %dma_wait3A_824, %dma_wait3A_825] : memref<10880x4x128xi32, #tpu.memory_space<hbm>> -> memref<1x4x128xi32, #tpu.memory_space<hbm>>
        %dma_wait3A_827 = tpu.memref_squeeze %dma_wait3A_826 : memref<1x4x128xi32, #tpu.memory_space<hbm>> -> memref<4x128xi32, #tpu.memory_space<hbm>>
        tpu.wait_dma2 semaphore(%dma_wait3A_820 : memref<!tpu.dma_semaphore, #tpu.memory_space<semaphore_mem>>) src(%dma_wait3A_827 : memref<4x128xi32, #tpu.memory_space<hbm>>) dst(%dma_wait3A_823 : memref<4x128xi32, #tpu.memory_space<vmem>>)
        %dma_wait3A_828 = arith.constant 0 : i32
        %dma_wait3A_829 = arith.constant 0 : i32
        %dma_wait3A_830 = arith.constant 0 : i32
        %dma_wait3A_831 = arith.constant 0 : i32
        %dma_wait3A_832 = tpu.memref_slice %arg7[%dma_wait3A_829, %dma_wait3A_831] : memref<2x512xf32, #tpu.memory_space<vmem>> -> memref<1x512xf32, #tpu.memory_space<vmem>>
        %dma_wait3A_833 = tpu.memref_squeeze %dma_wait3A_832 : memref<1x512xf32, #tpu.memory_space<vmem>> -> memref<512xf32, #tpu.memory_space<vmem>>
        %dma_wait3A_834 = arith.constant 0 : i32
        %dma_wait3A_835 = tpu.memref_slice %arg4[%dma_wait3A_828, %dma_wait3A_834] : memref<10880x512xf32, #tpu.memory_space<hbm>> -> memref<1x512xf32, #tpu.memory_space<hbm>>
        %dma_wait3A_836 = tpu.memref_squeeze %dma_wait3A_835 : memref<1x512xf32, #tpu.memory_space<hbm>> -> memref<512xf32, #tpu.memory_space<hbm>>
        %dma_wait3A_837 = tpu.memref_slice %arg11[%dma_wait3A_830] : memref<2x!tpu.dma_semaphore, #tpu.memory_space<semaphore_mem>> -> memref<1x!tpu.dma_semaphore, #tpu.memory_space<semaphore_mem>>
        %dma_wait3A_838 = tpu.memref_squeeze %dma_wait3A_837 : memref<1x!tpu.dma_semaphore, #tpu.memory_space<semaphore_mem>> -> memref<!tpu.dma_semaphore, #tpu.memory_space<semaphore_mem>>
        %dma_wait3A_839 = arith.constant 0 : i32
        %dma_wait3A_840 = tpu.memref_slice %arg7[%dma_wait3A_829, %dma_wait3A_839] : memref<2x512xf32, #tpu.memory_space<vmem>> -> memref<1x512xf32, #tpu.memory_space<vmem>>
        %dma_wait3A_841 = tpu.memref_squeeze %dma_wait3A_840 : memref<1x512xf32, #tpu.memory_space<vmem>> -> memref<512xf32, #tpu.memory_space<vmem>>
        %dma_wait3A_842 = arith.constant 0 : i32
        %dma_wait3A_843 = tpu.memref_slice %arg4[%dma_wait3A_828, %dma_wait3A_842] : memref<10880x512xf32, #tpu.memory_space<hbm>> -> memref<1x512xf32, #tpu.memory_space<hbm>>
        %dma_wait3A_844 = tpu.memref_squeeze %dma_wait3A_843 : memref<1x512xf32, #tpu.memory_space<hbm>> -> memref<512xf32, #tpu.memory_space<hbm>>
        tpu.wait_dma2 semaphore(%dma_wait3A_838 : memref<!tpu.dma_semaphore, #tpu.memory_space<semaphore_mem>>) src(%dma_wait3A_844 : memref<512xf32, #tpu.memory_space<hbm>>) dst(%dma_wait3A_841 : memref<512xf32, #tpu.memory_space<vmem>>)
        %dma_start3A_845 = arith.constant 0 : i32
        %dma_start3A_846 = arith.constant 0 : i32
        %dma_start3A_847 = arith.constant 0 : i32
        %dma_start3A_848 = arith.constant 0 : i32
        %dma_start3A_849 = arith.constant 0 : i32
        %dma_start3A_850 = arith.constant 0 : i32
        %dma_start3A_851 = arith.constant 0 : i32
        %dma_start3A_852 = tpu.memref_slice %arg8[%dma_start3A_846, %dma_start3A_847, %dma_start3A_850, %dma_start3A_851] : memref<2x4x128x32xf32, #tpu.memory_space<vmem>> -> memref<1x1x128x32xf32, #tpu.memory_space<vmem>>
        %dma_start3A_853 = tpu.memref_squeeze %dma_start3A_852 : memref<1x1x128x32xf32, #tpu.memory_space<vmem>> -> memref<128x32xf32, #tpu.memory_space<vmem>>
        %dma_start3A_854 = arith.constant 0 : i32
        %dma_start3A_855 = tpu.memref_slice %arg6[%dma_start3A_845, %dma_start3A_854] : memref<8x128xi32, #tpu.memory_space<vmem>> -> memref<1x128xi32, #tpu.memory_space<vmem>>
        %dma_start3A_856 = tpu.memref_squeeze %dma_start3A_855 : memref<1x128xi32, #tpu.memory_space<vmem>> -> memref<128xi32, #tpu.memory_space<vmem>>
        %dma_start3A_857 = arith.constant 0 : i32
        %dma_start3A_858 = arith.constant 0 : i32
        %dma_start3A_859 = tpu.memref_slice %arg2[%dma_start3A_857, %dma_start3A_858] : memref<87040x32xf32, #tpu.memory_space<hbm>> -> memref<87040x32xf32, #tpu.memory_space<hbm>>
        %dma_start3A_860 = tpu.memref_slice %arg10[%dma_start3A_848, %dma_start3A_849] : memref<2x4x!tpu.dma_semaphore, #tpu.memory_space<semaphore_mem>> -> memref<1x1x!tpu.dma_semaphore, #tpu.memory_space<semaphore_mem>>
        %dma_start3A_861 = tpu.memref_squeeze %dma_start3A_860 : memref<1x1x!tpu.dma_semaphore, #tpu.memory_space<semaphore_mem>> -> memref<!tpu.dma_semaphore, #tpu.memory_space<semaphore_mem>>
        tpu.enqueue_indirect_dma source(%dma_start3A_859 : memref<87040x32xf32, #tpu.memory_space<hbm>>) target(%dma_start3A_853 : memref<128x32xf32, #tpu.memory_space<vmem>>) offsets(%dma_start3A_856 : memref<128xi32, #tpu.memory_space<vmem>>) semaphore(%dma_start3A_861 : memref<!tpu.dma_semaphore, #tpu.memory_space<semaphore_mem>>)
        %dma_start3A_862 = arith.constant 1 : i32
        %dma_start3A_863 = arith.constant 0 : i32
        %dma_start3A_864 = arith.constant 1 : i32
        %dma_start3A_865 = arith.constant 0 : i32
        %dma_start3A_866 = arith.constant 1 : i32
        %dma_start3A_867 = arith.constant 0 : i32
        %dma_start3A_868 = arith.constant 0 : i32
        %dma_start3A_869 = tpu.memref_slice %arg8[%dma_start3A_863, %dma_start3A_864, %dma_start3A_867, %dma_start3A_868] : memref<2x4x128x32xf32, #tpu.memory_space<vmem>> -> memref<1x1x128x32xf32, #tpu.memory_space<vmem>>
        %dma_start3A_870 = tpu.memref_squeeze %dma_start3A_869 : memref<1x1x128x32xf32, #tpu.memory_space<vmem>> -> memref<128x32xf32, #tpu.memory_space<vmem>>
        %dma_start3A_871 = arith.constant 0 : i32
        %dma_start3A_872 = tpu.memref_slice %arg6[%dma_start3A_862, %dma_start3A_871] : memref<8x128xi32, #tpu.memory_space<vmem>> -> memref<1x128xi32, #tpu.memory_space<vmem>>
        %dma_start3A_873 = tpu.memref_squeeze %dma_start3A_872 : memref<1x128xi32, #tpu.memory_space<vmem>> -> memref<128xi32, #tpu.memory_space<vmem>>
        %dma_start3A_874 = arith.constant 0 : i32
        %dma_start3A_875 = arith.constant 0 : i32
        %dma_start3A_876 = tpu.memref_slice %arg2[%dma_start3A_874, %dma_start3A_875] : memref<87040x32xf32, #tpu.memory_space<hbm>> -> memref<87040x32xf32, #tpu.memory_space<hbm>>
        %dma_start3A_877 = tpu.memref_slice %arg10[%dma_start3A_865, %dma_start3A_866] : memref<2x4x!tpu.dma_semaphore, #tpu.memory_space<semaphore_mem>> -> memref<1x1x!tpu.dma_semaphore, #tpu.memory_space<semaphore_mem>>
        %dma_start3A_878 = tpu.memref_squeeze %dma_start3A_877 : memref<1x1x!tpu.dma_semaphore, #tpu.memory_space<semaphore_mem>> -> memref<!tpu.dma_semaphore, #tpu.memory_space<semaphore_mem>>
        tpu.enqueue_indirect_dma source(%dma_start3A_876 : memref<87040x32xf32, #tpu.memory_space<hbm>>) target(%dma_start3A_870 : memref<128x32xf32, #tpu.memory_space<vmem>>) offsets(%dma_start3A_873 : memref<128xi32, #tpu.memory_space<vmem>>) semaphore(%dma_start3A_878 : memref<!tpu.dma_semaphore, #tpu.memory_space<semaphore_mem>>)
        %dma_start3A_879 = arith.constant 2 : i32
        %dma_start3A_880 = arith.constant 0 : i32
        %dma_start3A_881 = arith.constant 2 : i32
        %dma_start3A_882 = arith.constant 0 : i32
        %dma_start3A_883 = arith.constant 2 : i32
        %dma_start3A_884 = arith.constant 0 : i32
        %dma_start3A_885 = arith.constant 0 : i32
        %dma_start3A_886 = tpu.memref_slice %arg8[%dma_start3A_880, %dma_start3A_881, %dma_start3A_884, %dma_start3A_885] : memref<2x4x128x32xf32, #tpu.memory_space<vmem>> -> memref<1x1x128x32xf32, #tpu.memory_space<vmem>>
        %dma_start3A_887 = tpu.memref_squeeze %dma_start3A_886 : memref<1x1x128x32xf32, #tpu.memory_space<vmem>> -> memref<128x32xf32, #tpu.memory_space<vmem>>
        %dma_start3A_888 = arith.constant 0 : i32
        %dma_start3A_889 = tpu.memref_slice %arg6[%dma_start3A_879, %dma_start3A_888] : memref<8x128xi32, #tpu.memory_space<vmem>> -> memref<1x128xi32, #tpu.memory_space<vmem>>
        %dma_start3A_890 = tpu.memref_squeeze %dma_start3A_889 : memref<1x128xi32, #tpu.memory_space<vmem>> -> memref<128xi32, #tpu.memory_space<vmem>>
        %dma_start3A_891 = arith.constant 0 : i32
        %dma_start3A_892 = arith.constant 0 : i32
        %dma_start3A_893 = tpu.memref_slice %arg2[%dma_start3A_891, %dma_start3A_892] : memref<87040x32xf32, #tpu.memory_space<hbm>> -> memref<87040x32xf32, #tpu.memory_space<hbm>>
        %dma_start3A_894 = tpu.memref_slice %arg10[%dma_start3A_882, %dma_start3A_883] : memref<2x4x!tpu.dma_semaphore, #tpu.memory_space<semaphore_mem>> -> memref<1x1x!tpu.dma_semaphore, #tpu.memory_space<semaphore_mem>>
        %dma_start3A_895 = tpu.memref_squeeze %dma_start3A_894 : memref<1x1x!tpu.dma_semaphore, #tpu.memory_space<semaphore_mem>> -> memref<!tpu.dma_semaphore, #tpu.memory_space<semaphore_mem>>
        tpu.enqueue_indirect_dma source(%dma_start3A_893 : memref<87040x32xf32, #tpu.memory_space<hbm>>) target(%dma_start3A_887 : memref<128x32xf32, #tpu.memory_space<vmem>>) offsets(%dma_start3A_890 : memref<128xi32, #tpu.memory_space<vmem>>) semaphore(%dma_start3A_895 : memref<!tpu.dma_semaphore, #tpu.memory_space<semaphore_mem>>)
        %dma_start3A_896 = arith.constant 3 : i32
        %dma_start3A_897 = arith.constant 0 : i32
        %dma_start3A_898 = arith.constant 3 : i32
        %dma_start3A_899 = arith.constant 0 : i32
        %dma_start3A_900 = arith.constant 3 : i32
        %dma_start3A_901 = arith.constant 0 : i32
        %dma_start3A_902 = arith.constant 0 : i32
        %dma_start3A_903 = tpu.memref_slice %arg8[%dma_start3A_897, %dma_start3A_898, %dma_start3A_901, %dma_start3A_902] : memref<2x4x128x32xf32, #tpu.memory_space<vmem>> -> memref<1x1x128x32xf32, #tpu.memory_space<vmem>>
        %dma_start3A_904 = tpu.memref_squeeze %dma_start3A_903 : memref<1x1x128x32xf32, #tpu.memory_space<vmem>> -> memref<128x32xf32, #tpu.memory_space<vmem>>
        %dma_start3A_905 = arith.constant 0 : i32
        %dma_start3A_906 = tpu.memref_slice %arg6[%dma_start3A_896, %dma_start3A_905] : memref<8x128xi32, #tpu.memory_space<vmem>> -> memref<1x128xi32, #tpu.memory_space<vmem>>
        %dma_start3A_907 = tpu.memref_squeeze %dma_start3A_906 : memref<1x128xi32, #tpu.memory_space<vmem>> -> memref<128xi32, #tpu.memory_space<vmem>>
        %dma_start3A_908 = arith.constant 0 : i32
        %dma_start3A_909 = arith.constant 0 : i32
        %dma_start3A_910 = tpu.memref_slice %arg2[%dma_start3A_908, %dma_start3A_909] : memref<87040x32xf32, #tpu.memory_space<hbm>> -> memref<87040x32xf32, #tpu.memory_space<hbm>>
        %dma_start3A_911 = tpu.memref_slice %arg10[%dma_start3A_899, %dma_start3A_900] : memref<2x4x!tpu.dma_semaphore, #tpu.memory_space<semaphore_mem>> -> memref<1x1x!tpu.dma_semaphore, #tpu.memory_space<semaphore_mem>>
        %dma_start3A_912 = tpu.memref_squeeze %dma_start3A_911 : memref<1x1x!tpu.dma_semaphore, #tpu.memory_space<semaphore_mem>> -> memref<!tpu.dma_semaphore, #tpu.memory_space<semaphore_mem>>
        tpu.enqueue_indirect_dma source(%dma_start3A_910 : memref<87040x32xf32, #tpu.memory_space<hbm>>) target(%dma_start3A_904 : memref<128x32xf32, #tpu.memory_space<vmem>>) offsets(%dma_start3A_907 : memref<128xi32, #tpu.memory_space<vmem>>) semaphore(%dma_start3A_912 : memref<!tpu.dma_semaphore, #tpu.memory_space<semaphore_mem>>)
      } else {
      }
      %ge3A_589 = arith.constant 2 : i32
      %ge3A_590 = arith.cmpi sge, %add3A_513, %ge3A_589 : i32
      %convert_element_type3A_591 = arith.extui %ge3A_590 : i1 to i32
      %cond3A_592 = arith.constant 0 : i32
      %cond3A_593 = arith.cmpi ne, %convert_element_type3A_591, %cond3A_592 : i32
      scf.if %cond3A_593 {
        %dma_wait3A_810 = arith.constant 1 : i32
        %dma_wait3A_811 = arith.constant 0 : i32
        %dma_wait3A_812 = arith.constant 1 : i32
        %dma_wait3A_813 = arith.constant 0 : i32
        %dma_wait3A_814 = tpu.memref_slice %arg9[%dma_wait3A_810, %dma_wait3A_813] : memref<2x256xf32, #tpu.memory_space<vmem>> -> memref<1x256xf32, #tpu.memory_space<vmem>>
        %dma_wait3A_815 = tpu.memref_squeeze %dma_wait3A_814 : memref<1x256xf32, #tpu.memory_space<vmem>> -> memref<256xf32, #tpu.memory_space<vmem>>
        %dma_wait3A_816 = arith.constant 0 : i32
        %dma_wait3A_817 = tpu.memref_slice %arg5[%dma_wait3A_811, %dma_wait3A_816] : memref<10880x256xf32, #tpu.memory_space<hbm>> -> memref<1x256xf32, #tpu.memory_space<hbm>>
        %dma_wait3A_818 = tpu.memref_squeeze %dma_wait3A_817 : memref<1x256xf32, #tpu.memory_space<hbm>> -> memref<256xf32, #tpu.memory_space<hbm>>
        %dma_wait3A_819 = tpu.memref_slice %arg12[%dma_wait3A_812] : memref<2x!tpu.dma_semaphore, #tpu.memory_space<semaphore_mem>> -> memref<1x!tpu.dma_semaphore, #tpu.memory_space<semaphore_mem>>
        %dma_wait3A_820 = tpu.memref_squeeze %dma_wait3A_819 : memref<1x!tpu.dma_semaphore, #tpu.memory_space<semaphore_mem>> -> memref<!tpu.dma_semaphore, #tpu.memory_space<semaphore_mem>>
        %dma_wait3A_821 = arith.constant 0 : i32
        %dma_wait3A_822 = tpu.memref_slice %arg5[%dma_wait3A_811, %dma_wait3A_821] : memref<10880x256xf32, #tpu.memory_space<hbm>> -> memref<1x256xf32, #tpu.memory_space<hbm>>
        %dma_wait3A_823 = tpu.memref_squeeze %dma_wait3A_822 : memref<1x256xf32, #tpu.memory_space<hbm>> -> memref<256xf32, #tpu.memory_space<hbm>>
        %dma_wait3A_824 = arith.constant 0 : i32
        %dma_wait3A_825 = tpu.memref_slice %arg9[%dma_wait3A_810, %dma_wait3A_824] : memref<2x256xf32, #tpu.memory_space<vmem>> -> memref<1x256xf32, #tpu.memory_space<vmem>>
        %dma_wait3A_826 = tpu.memref_squeeze %dma_wait3A_825 : memref<1x256xf32, #tpu.memory_space<vmem>> -> memref<256xf32, #tpu.memory_space<vmem>>
        tpu.wait_dma2 semaphore(%dma_wait3A_820 : memref<!tpu.dma_semaphore, #tpu.memory_space<semaphore_mem>>) src(%dma_wait3A_826 : memref<256xf32, #tpu.memory_space<vmem>>) dst(%dma_wait3A_823 : memref<256xf32, #tpu.memory_space<hbm>>)
      } else {
      }
      %get3A_594 = arith.constant 1 : i32
      %get3A_595 = arith.constant 0 : i32
      %get3A_596 = arith.constant 0 : i32
      %get3A_597 = arith.index_cast %get3A_594 : i32 to index
      %get3A_598 = arith.index_cast %get3A_595 : i32 to index
      %get3A_599 = arith.index_cast %get3A_596 : i32 to index
      %get3A_600 = arith.constant 0 : index
      %get3A_601 = tpu.vector_load %arg8[%get3A_597, %get3A_598, %get3A_599, %get3A_600] {strides = array<i32>} : memref<2x4x128x32xf32, #tpu.memory_space<vmem>>, vector<16xf32>,
      %swap3A_602 = arith.constant 1 : i32
      %swap3A_603 = arith.index_cast %swap3A_602 : i32 to index
      %swap3A_604 = arith.constant 0 : index
      %swap3A_605 = tpu.vector_load %arg9[%swap3A_603, %swap3A_604] {strides = array<i32>} : memref<2x256xf32, #tpu.memory_space<vmem>>, vector<16xf32>,
      tpu.vector_store %arg9[%swap3A_603, %swap3A_604], %get3A_601 {strides = array<i32>} : memref<2x256xf32, #tpu.memory_space<vmem>>, vector<16xf32>,
      %get3A_606 = arith.constant 1 : i32
      %get3A_607 = arith.constant 0 : i32
      %get3A_608 = arith.constant 0 : i32
      %get3A_609 = arith.index_cast %get3A_606 : i32 to index
      %get3A_610 = arith.index_cast %get3A_607 : i32 to index
      %get3A_611 = arith.index_cast %get3A_608 : i32 to index
      %get3A_612 = arith.constant 16 : index
      %get3A_613 = tpu.vector_load %arg8[%get3A_609, %get3A_610, %get3A_611, %get3A_612] {strides = array<i32>} : memref<2x4x128x32xf32, #tpu.memory_space<vmem>>, vector<16xf32>,
      %swap3A_614 = arith.constant 1 : i32
      %swap3A_615 = arith.index_cast %swap3A_614 : i32 to index
      %swap3A_616 = arith.constant 16 : index
      %swap3A_617 = tpu.vector_load %arg9[%swap3A_615, %swap3A_616] {strides = array<i32>} : memref<2x256xf32, #tpu.memory_space<vmem>>, vector<16xf32>,
      tpu.vector_store %arg9[%swap3A_615, %swap3A_616], %get3A_613 {strides = array<i32>} : memref<2x256xf32, #tpu.memory_space<vmem>>, vector<16xf32>,
      %get3A_618 = arith.constant 1 : i32
      %get3A_619 = arith.constant 0 : i32
      %get3A_620 = arith.constant 1 : i32
      %get3A_621 = arith.index_cast %get3A_618 : i32 to index
      %get3A_622 = arith.index_cast %get3A_619 : i32 to index
      %get3A_623 = arith.index_cast %get3A_620 : i32 to index
      %get3A_624 = arith.constant 0 : index
      %get3A_625 = tpu.vector_load %arg8[%get3A_621, %get3A_622, %get3A_623, %get3A_624] {strides = array<i32>} : memref<2x4x128x32xf32, #tpu.memory_space<vmem>>, vector<16xf32>,
      %swap3A_626 = arith.constant 1 : i32
      %swap3A_627 = arith.index_cast %swap3A_626 : i32 to index
      %swap3A_628 = arith.constant 32 : index
      %swap3A_629 = tpu.vector_load %arg9[%swap3A_627, %swap3A_628] {strides = array<i32>} : memref<2x256xf32, #tpu.memory_space<vmem>>, vector<16xf32>,
      tpu.vector_store %arg9[%swap3A_627, %swap3A_628], %get3A_625 {strides = array<i32>} : memref<2x256xf32, #tpu.memory_space<vmem>>, vector<16xf32>,
      %get3A_630 = arith.constant 1 : i32
      %get3A_631 = arith.constant 0 : i32
      %get3A_632 = arith.constant 1 : i32
      %get3A_633 = arith.index_cast %get3A_630 : i32 to index
      %get3A_634 = arith.index_cast %get3A_631 : i32 to index
      %get3A_635 = arith.index_cast %get3A_632 : i32 to index
      %get3A_636 = arith.constant 16 : index
      %get3A_637 = tpu.vector_load %arg8[%get3A_633, %get3A_634, %get3A_635, %get3A_636] {strides = array<i32>} : memref<2x4x128x32xf32, #tpu.memory_space<vmem>>, vector<16xf32>,
      %swap3A_638 = arith.constant 1 : i32
      %swap3A_639 = arith.index_cast %swap3A_638 : i32 to index
      %swap3A_640 = arith.constant 48 : index
      %swap3A_641 = tpu.vector_load %arg9[%swap3A_639, %swap3A_640] {strides = array<i32>} : memref<2x256xf32, #tpu.memory_space<vmem>>, vector<16xf32>,
      tpu.vector_store %arg9[%swap3A_639, %swap3A_640], %get3A_637 {strides = array<i32>} : memref<2x256xf32, #tpu.memory_space<vmem>>, vector<16xf32>,
      %get3A_642 = arith.constant 1 : i32
      %get3A_643 = arith.constant 0 : i32
      %get3A_644 = arith.constant 2 : i32
      %get3A_645 = arith.index_cast %get3A_642 : i32 to index
      %get3A_646 = arith.index_cast %get3A_643 : i32 to index
      %get3A_647 = arith.index_cast %get3A_644 : i32 to index
      %get3A_648 = arith.constant 0 : index
      %get3A_649 = tpu.vector_load %arg8[%get3A_645, %get3A_646, %get3A_647, %get3A_648] {strides = array<i32>} : memref<2x4x128x32xf32, #tpu.memory_space<vmem>>, vector<16xf32>,
      %swap3A_650 = arith.constant 1 : i32
      %swap3A_651 = arith.index_cast %swap3A_650 : i32 to index
      %swap3A_652 = arith.constant 64 : index
      %swap3A_653 = tpu.vector_load %arg9[%swap3A_651, %swap3A_652] {strides = array<i32>} : memref<2x256xf32, #tpu.memory_space<vmem>>, vector<16xf32>,
      tpu.vector_store %arg9[%swap3A_651, %swap3A_652], %get3A_649 {strides = array<i32>} : memref<2x256xf32, #tpu.memory_space<vmem>>, vector<16xf32>,
      %get3A_654 = arith.constant 1 : i32
      %get3A_655 = arith.constant 0 : i32
      %get3A_656 = arith.constant 2 : i32
      %get3A_657 = arith.index_cast %get3A_654 : i32 to index
      %get3A_658 = arith.index_cast %get3A_655 : i32 to index
      %get3A_659 = arith.index_cast %get3A_656 : i32 to index
      %get3A_660 = arith.constant 16 : index
      %get3A_661 = tpu.vector_load %arg8[%get3A_657, %get3A_658, %get3A_659, %get3A_660] {strides = array<i32>} : memref<2x4x128x32xf32, #tpu.memory_space<vmem>>, vector<16xf32>,
      %swap3A_662 = arith.constant 1 : i32
      %swap3A_663 = arith.index_cast %swap3A_662 : i32 to index
      %swap3A_664 = arith.constant 80 : index
      %swap3A_665 = tpu.vector_load %arg9[%swap3A_663, %swap3A_664] {strides = array<i32>} : memref<2x256xf32, #tpu.memory_space<vmem>>, vector<16xf32>,
      tpu.vector_store %arg9[%swap3A_663, %swap3A_664], %get3A_661 {strides = array<i32>} : memref<2x256xf32, #tpu.memory_space<vmem>>, vector<16xf32>,
      %get3A_666 = arith.constant 1 : i32
      %get3A_667 = arith.constant 0 : i32
      %get3A_668 = arith.constant 3 : i32
      %get3A_669 = arith.index_cast %get3A_666 : i32 to index
      %get3A_670 = arith.index_cast %get3A_667 : i32 to index
      %get3A_671 = arith.index_cast %get3A_668 : i32 to index
      %get3A_672 = arith.constant 0 : index
      %get3A_673 = tpu.vector_load %arg8[%get3A_669, %get3A_670, %get3A_671, %get3A_672] {strides = array<i32>} : memref<2x4x128x32xf32, #tpu.memory_space<vmem>>, vector<16xf32>,
      %swap3A_674 = arith.constant 1 : i32
      %swap3A_675 = arith.index_cast %swap3A_674 : i32 to index
      %swap3A_676 = arith.constant 96 : index
      %swap3A_677 = tpu.vector_load %arg9[%swap3A_675, %swap3A_676] {strides = array<i32>} : memref<2x256xf32, #tpu.memory_space<vmem>>, vector<16xf32>,
      tpu.vector_store %arg9[%swap3A_675, %swap3A_676], %get3A_673 {strides = array<i32>} : memref<2x256xf32, #tpu.memory_space<vmem>>, vector<16xf32>,
      %get3A_678 = arith.constant 1 : i32
      %get3A_679 = arith.constant 0 : i32
      %get3A_680 = arith.constant 3 : i32
      %get3A_681 = arith.index_cast %get3A_678 : i32 to index
      %get3A_682 = arith.index_cast %get3A_679 : i32 to index
      %get3A_683 = arith.index_cast %get3A_680 : i32 to index
      %get3A_684 = arith.constant 16 : index
      %get3A_685 = tpu.vector_load %arg8[%get3A_681, %get3A_682, %get3A_683, %get3A_684] {strides = array<i32>} : memref<2x4x128x32xf32, #tpu.memory_space<vmem>>, vector<16xf32>,
      %swap3A_686 = arith.constant 1 : i32
      %swap3A_687 = arith.index_cast %swap3A_686 : i32 to index
      %swap3A_688 = arith.constant 112 : index
      %swap3A_689 = tpu.vector_load %arg9[%swap3A_687, %swap3A_688] {strides = array<i32>} : memref<2x256xf32, #tpu.memory_space<vmem>>, vector<16xf32>,
      tpu.vector_store %arg9[%swap3A_687, %swap3A_688], %get3A_685 {strides = array<i32>} : memref<2x256xf32, #tpu.memory_space<vmem>>, vector<16xf32>,
      %get3A_690 = arith.constant 1 : i32
      %get3A_691 = arith.constant 0 : i32
      %get3A_692 = arith.constant 4 : i32
      %get3A_693 = arith.index_cast %get3A_690 : i32 to index
      %get3A_694 = arith.index_cast %get3A_691 : i32 to index
      %get3A_695 = arith.index_cast %get3A_692 : i32 to index
      %get3A_696 = arith.constant 0 : index
      %get3A_697 = tpu.vector_load %arg8[%get3A_693, %get3A_694, %get3A_695, %get3A_696] {strides = array<i32>} : memref<2x4x128x32xf32, #tpu.memory_space<vmem>>, vector<16xf32>,
      %swap3A_698 = arith.constant 1 : i32
      %swap3A_699 = arith.index_cast %swap3A_698 : i32 to index
      %swap3A_700 = arith.constant 128 : index
      %swap3A_701 = tpu.vector_load %arg9[%swap3A_699, %swap3A_700] {strides = array<i32>} : memref<2x256xf32, #tpu.memory_space<vmem>>, vector<16xf32>,
      tpu.vector_store %arg9[%swap3A_699, %swap3A_700], %get3A_697 {strides = array<i32>} : memref<2x256xf32, #tpu.memory_space<vmem>>, vector<16xf32>,
      %get3A_702 = arith.constant 1 : i32
      %get3A_703 = arith.constant 0 : i32
      %get3A_704 = arith.constant 4 : i32
      %get3A_705 = arith.index_cast %get3A_702 : i32 to index
      %get3A_706 = arith.index_cast %get3A_703 : i32 to index
      %get3A_707 = arith.index_cast %get3A_704 : i32 to index
      %get3A_708 = arith.constant 16 : index
      %get3A_709 = tpu.vector_load %arg8[%get3A_705, %get3A_706, %get3A_707, %get3A_708] {strides = array<i32>} : memref<2x4x128x32xf32, #tpu.memory_space<vmem>>, vector<16xf32>,
      %swap3A_710 = arith.constant 1 : i32
      %swap3A_711 = arith.index_cast %swap3A_710 : i32 to index
      %swap3A_712 = arith.constant 144 : index
      %swap3A_713 = tpu.vector_load %arg9[%swap3A_711, %swap3A_712] {strides = array<i32>} : memref<2x256xf32, #tpu.memory_space<vmem>>, vector<16xf32>,
      tpu.vector_store %arg9[%swap3A_711, %swap3A_712], %get3A_709 {strides = array<i32>} : memref<2x256xf32, #tpu.memory_space<vmem>>, vector<16xf32>,
      %get3A_714 = arith.constant 1 : i32
      %get3A_715 = arith.constant 0 : i32
      %get3A_716 = arith.constant 5 : i32
      %get3A_717 = arith.index_cast %get3A_714 : i32 to index
      %get3A_718 = arith.index_cast %get3A_715 : i32 to index
      %get3A_719 = arith.index_cast %get3A_716 : i32 to index
      %get3A_720 = arith.constant 0 : index
      %get3A_721 = tpu.vector_load %arg8[%get3A_717, %get3A_718, %get3A_719, %get3A_720] {strides = array<i32>} : memref<2x4x128x32xf32, #tpu.memory_space<vmem>>, vector<16xf32>,
      %swap3A_722 = arith.constant 1 : i32
      %swap3A_723 = arith.index_cast %swap3A_722 : i32 to index
      %swap3A_724 = arith.constant 160 : index
      %swap3A_725 = tpu.vector_load %arg9[%swap3A_723, %swap3A_724] {strides = array<i32>} : memref<2x256xf32, #tpu.memory_space<vmem>>, vector<16xf32>,
      tpu.vector_store %arg9[%swap3A_723, %swap3A_724], %get3A_721 {strides = array<i32>} : memref<2x256xf32, #tpu.memory_space<vmem>>, vector<16xf32>,
      %get3A_726 = arith.constant 1 : i32
      %get3A_727 = arith.constant 0 : i32
      %get3A_728 = arith.constant 5 : i32
      %get3A_729 = arith.index_cast %get3A_726 : i32 to index
      %get3A_730 = arith.index_cast %get3A_727 : i32 to index
      %get3A_731 = arith.index_cast %get3A_728 : i32 to index
      %get3A_732 = arith.constant 16 : index
      %get3A_733 = tpu.vector_load %arg8[%get3A_729, %get3A_730, %get3A_731, %get3A_732] {strides = array<i32>} : memref<2x4x128x32xf32, #tpu.memory_space<vmem>>, vector<16xf32>,
      %swap3A_734 = arith.constant 1 : i32
      %swap3A_735 = arith.index_cast %swap3A_734 : i32 to index
      %swap3A_736 = arith.constant 176 : index
      %swap3A_737 = tpu.vector_load %arg9[%swap3A_735, %swap3A_736] {strides = array<i32>} : memref<2x256xf32, #tpu.memory_space<vmem>>, vector<16xf32>,
      tpu.vector_store %arg9[%swap3A_735, %swap3A_736], %get3A_733 {strides = array<i32>} : memref<2x256xf32, #tpu.memory_space<vmem>>, vector<16xf32>,
      %get3A_738 = arith.constant 1 : i32
      %get3A_739 = arith.constant 0 : i32
      %get3A_740 = arith.constant 6 : i32
      %get3A_741 = arith.index_cast %get3A_738 : i32 to index
      %get3A_742 = arith.index_cast %get3A_739 : i32 to index
      %get3A_743 = arith.index_cast %get3A_740 : i32 to index
      %get3A_744 = arith.constant 0 : index
      %get3A_745 = tpu.vector_load %arg8[%get3A_741, %get3A_742, %get3A_743, %get3A_744] {strides = array<i32>} : memref<2x4x128x32xf32, #tpu.memory_space<vmem>>, vector<16xf32>,
      %swap3A_746 = arith.constant 1 : i32
      %swap3A_747 = arith.index_cast %swap3A_746 : i32 to index
      %swap3A_748 = arith.constant 192 : index
      %swap3A_749 = tpu.vector_load %arg9[%swap3A_747, %swap3A_748] {strides = array<i32>} : memref<2x256xf32, #tpu.memory_space<vmem>>, vector<16xf32>,
      tpu.vector_store %arg9[%swap3A_747, %swap3A_748], %get3A_745 {strides = array<i32>} : memref<2x256xf32, #tpu.memory_space<vmem>>, vector<16xf32>,
      %get3A_750 = arith.constant 1 : i32
      %get3A_751 = arith.constant 0 : i32
      %get3A_752 = arith.constant 6 : i32
      %get3A_753 = arith.index_cast %get3A_750 : i32 to index
      %get3A_754 = arith.index_cast %get3A_751 : i32 to index
      %get3A_755 = arith.index_cast %get3A_752 : i32 to index
      %get3A_756 = arith.constant 16 : index
      %get3A_757 = tpu.vector_load %arg8[%get3A_753, %get3A_754, %get3A_755, %get3A_756] {strides = array<i32>} : memref<2x4x128x32xf32, #tpu.memory_space<vmem>>, vector<16xf32>,
      %swap3A_758 = arith.constant 1 : i32
      %swap3A_759 = arith.index_cast %swap3A_758 : i32 to index
      %swap3A_760 = arith.constant 208 : index
      %swap3A_761 = tpu.vector_load %arg9[%swap3A_759, %swap3A_760] {strides = array<i32>} : memref<2x256xf32, #tpu.memory_space<vmem>>, vector<16xf32>,
      tpu.vector_store %arg9[%swap3A_759, %swap3A_760], %get3A_757 {strides = array<i32>} : memref<2x256xf32, #tpu.memory_space<vmem>>, vector<16xf32>,
      %get3A_762 = arith.constant 1 : i32
      %get3A_763 = arith.constant 0 : i32
      %get3A_764 = arith.constant 7 : i32
      %get3A_765 = arith.index_cast %get3A_762 : i32 to index
      %get3A_766 = arith.index_cast %get3A_763 : i32 to index
      %get3A_767 = arith.index_cast %get3A_764 : i32 to index
      %get3A_768 = arith.constant 0 : index
      %get3A_769 = tpu.vector_load %arg8[%get3A_765, %get3A_766, %get3A_767, %get3A_768] {strides = array<i32>} : memref<2x4x128x32xf32, #tpu.memory_space<vmem>>, vector<16xf32>,
      %swap3A_770 = arith.constant 1 : i32
      %swap3A_771 = arith.index_cast %swap3A_770 : i32 to index
      %swap3A_772 = arith.constant 224 : index
      %swap3A_773 = tpu.vector_load %arg9[%swap3A_771, %swap3A_772] {strides = array<i32>} : memref<2x256xf32, #tpu.memory_space<vmem>>, vector<16xf32>,
      tpu.vector_store %arg9[%swap3A_771, %swap3A_772], %get3A_769 {strides = array<i32>} : memref<2x256xf32, #tpu.memory_space<vmem>>, vector<16xf32>,
      %get3A_774 = arith.constant 1 : i32
      %get3A_775 = arith.constant 0 : i32
      %get3A_776 = arith.constant 7 : i32
      %get3A_777 = arith.index_cast %get3A_774 : i32 to index
      %get3A_778 = arith.index_cast %get3A_775 : i32 to index
      %get3A_779 = arith.index_cast %get3A_776 : i32 to index
      %get3A_780 = arith.constant 16 : index
      %get3A_781 = tpu.vector_load %arg8[%get3A_777, %get3A_778, %get3A_779, %get3A_780] {strides = array<i32>} : memref<2x4x128x32xf32, #tpu.memory_space<vmem>>, vector<16xf32>,
      %swap3A_782 = arith.constant 1 : i32
      %swap3A_783 = arith.index_cast %swap3A_782 : i32 to index
      %swap3A_784 = arith.constant 240 : index
      %swap3A_785 = tpu.vector_load %arg9[%swap3A_783, %swap3A_784] {strides = array<i32>} : memref<2x256xf32, #tpu.memory_space<vmem>>, vector<16xf32>,
      tpu.vector_store %arg9[%swap3A_783, %swap3A_784], %get3A_781 {strides = array<i32>} : memref<2x256xf32, #tpu.memory_space<vmem>>, vector<16xf32>,
      %add3A_786 = arith.addi %mul3A_2, %add3A_513 : i32
      %dma_start3A_787 = arith.constant 1 : i32
      %dma_start3A_788 = arith.constant 1 : i32
      %dma_start3A_789 = arith.constant 0 : i32
      %dma_start3A_790 = tpu.memref_slice %arg9[%dma_start3A_787, %dma_start3A_789] : memref<2x256xf32, #tpu.memory_space<vmem>> -> memref<1x256xf32, #tpu.memory_space<vmem>>
      %dma_start3A_791 = tpu.memref_squeeze %dma_start3A_790 : memref<1x256xf32, #tpu.memory_space<vmem>> -> memref<256xf32, #tpu.memory_space<vmem>>
      %dma_start3A_792 = arith.constant 0 : i32
      %dma_start3A_793 = tpu.memref_slice %arg5[%add3A_786, %dma_start3A_792] : memref<10880x256xf32, #tpu.memory_space<hbm>> -> memref<1x256xf32, #tpu.memory_space<hbm>>
      %dma_start3A_794 = tpu.memref_squeeze %dma_start3A_793 : memref<1x256xf32, #tpu.memory_space<hbm>> -> memref<256xf32, #tpu.memory_space<hbm>>
      %dma_start3A_795 = tpu.memref_slice %arg12[%dma_start3A_788] : memref<2x!tpu.dma_semaphore, #tpu.memory_space<semaphore_mem>> -> memref<1x!tpu.dma_semaphore, #tpu.memory_space<semaphore_mem>>
      %dma_start3A_796 = tpu.memref_squeeze %dma_start3A_795 : memref<1x!tpu.dma_semaphore, #tpu.memory_space<semaphore_mem>> -> memref<!tpu.dma_semaphore, #tpu.memory_space<semaphore_mem>>
      %dma_start3A_797 = arith.constant 0 : i32
      %dma_start3A_798 = tpu.memref_slice %arg5[%add3A_786, %dma_start3A_797] : memref<10880x256xf32, #tpu.memory_space<hbm>> -> memref<1x256xf32, #tpu.memory_space<hbm>>
      %dma_start3A_799 = tpu.memref_squeeze %dma_start3A_798 : memref<1x256xf32, #tpu.memory_space<hbm>> -> memref<256xf32, #tpu.memory_space<hbm>>
      %dma_start3A_800 = arith.constant 0 : i32
      %dma_start3A_801 = tpu.memref_slice %arg9[%dma_start3A_787, %dma_start3A_800] : memref<2x256xf32, #tpu.memory_space<vmem>> -> memref<1x256xf32, #tpu.memory_space<vmem>>
      %dma_start3A_802 = tpu.memref_squeeze %dma_start3A_801 : memref<1x256xf32, #tpu.memory_space<vmem>> -> memref<256xf32, #tpu.memory_space<vmem>>
      tpu.enqueue_dma source(%dma_start3A_802 : memref<256xf32, #tpu.memory_space<vmem>>) target(%dma_start3A_799 : memref<256xf32, #tpu.memory_space<hbm>>) target_semaphore(%dma_start3A_796 : memref<!tpu.dma_semaphore, #tpu.memory_space<semaphore_mem>>)
      %add3A_803 = arith.constant 2 : i32
      %add3A_804 = arith.addi %add3A_513, %add3A_803 : i32
      %lt3A_805 = arith.constant 340 : i32
      %lt3A_806 = arith.cmpi slt, %add3A_804, %lt3A_805 : i32
      %convert_element_type3A_807 = arith.extui %lt3A_806 : i1 to i32
      %cond3A_808 = arith.constant 0 : i32
      %cond3A_809 = arith.cmpi ne, %convert_element_type3A_807, %cond3A_808 : i32
      scf.if %cond3A_809 {
        %add3A_810 = arith.constant 2 : i32
        %add3A_811 = arith.addi %add3A_513, %add3A_810 : i32
        %add3A_812 = arith.addi %mul3A_2, %add3A_811 : i32
        %dma_start3A_813 = arith.constant 1 : i32
        %dma_start3A_814 = arith.constant 4 : i32
        %dma_start3A_815 = arith.constant 0 : i32
        %dma_start3A_816 = tpu.memref_slice %arg6[%dma_start3A_814, %dma_start3A_815] : memref<8x128xi32, #tpu.memory_space<vmem>> -> memref<4x128xi32, #tpu.memory_space<vmem>>
        %dma_start3A_817 = arith.constant 0 : i32
        %dma_start3A_818 = arith.constant 0 : i32
        %dma_start3A_819 = tpu.memref_slice %arg3[%add3A_812, %dma_start3A_817, %dma_start3A_818] : memref<10880x4x128xi32, #tpu.memory_space<hbm>> -> memref<1x4x128xi32, #tpu.memory_space<hbm>>
        %dma_start3A_820 = tpu.memref_squeeze %dma_start3A_819 : memref<1x4x128xi32, #tpu.memory_space<hbm>> -> memref<4x128xi32, #tpu.memory_space<hbm>>
        %dma_start3A_821 = tpu.memref_slice %arg11[%dma_start3A_813] : memref<2x!tpu.dma_semaphore, #tpu.memory_space<semaphore_mem>> -> memref<1x!tpu.dma_semaphore, #tpu.memory_space<semaphore_mem>>
        %dma_start3A_822 = tpu.memref_squeeze %dma_start3A_821 : memref<1x!tpu.dma_semaphore, #tpu.memory_space<semaphore_mem>> -> memref<!tpu.dma_semaphore, #tpu.memory_space<semaphore_mem>>
        %dma_start3A_823 = arith.constant 4 : i32
        %dma_start3A_824 = arith.constant 0 : i32
        %dma_start3A_825 = tpu.memref_slice %arg6[%dma_start3A_823, %dma_start3A_824] : memref<8x128xi32, #tpu.memory_space<vmem>> -> memref<4x128xi32, #tpu.memory_space<vmem>>
        %dma_start3A_826 = arith.constant 0 : i32
        %dma_start3A_827 = arith.constant 0 : i32
        %dma_start3A_828 = tpu.memref_slice %arg3[%add3A_812, %dma_start3A_826, %dma_start3A_827] : memref<10880x4x128xi32, #tpu.memory_space<hbm>> -> memref<1x4x128xi32, #tpu.memory_space<hbm>>
        %dma_start3A_829 = tpu.memref_squeeze %dma_start3A_828 : memref<1x4x128xi32, #tpu.memory_space<hbm>> -> memref<4x128xi32, #tpu.memory_space<hbm>>
        tpu.enqueue_dma source(%dma_start3A_829 : memref<4x128xi32, #tpu.memory_space<hbm>>) target(%dma_start3A_825 : memref<4x128xi32, #tpu.memory_space<vmem>>) target_semaphore(%dma_start3A_822 : memref<!tpu.dma_semaphore, #tpu.memory_space<semaphore_mem>>)
        %add3A_830 = arith.addi %mul3A_2, %add3A_811 : i32
        %dma_start3A_831 = arith.constant 1 : i32
        %dma_start3A_832 = arith.constant 1 : i32
        %dma_start3A_833 = arith.constant 0 : i32
        %dma_start3A_834 = tpu.memref_slice %arg7[%dma_start3A_831, %dma_start3A_833] : memref<2x512xf32, #tpu.memory_space<vmem>> -> memref<1x512xf32, #tpu.memory_space<vmem>>
        %dma_start3A_835 = tpu.memref_squeeze %dma_start3A_834 : memref<1x512xf32, #tpu.memory_space<vmem>> -> memref<512xf32, #tpu.memory_space<vmem>>
        %dma_start3A_836 = arith.constant 0 : i32
        %dma_start3A_837 = tpu.memref_slice %arg4[%add3A_830, %dma_start3A_836] : memref<10880x512xf32, #tpu.memory_space<hbm>> -> memref<1x512xf32, #tpu.memory_space<hbm>>
        %dma_start3A_838 = tpu.memref_squeeze %dma_start3A_837 : memref<1x512xf32, #tpu.memory_space<hbm>> -> memref<512xf32, #tpu.memory_space<hbm>>
        %dma_start3A_839 = tpu.memref_slice %arg11[%dma_start3A_832] : memref<2x!tpu.dma_semaphore, #tpu.memory_space<semaphore_mem>> -> memref<1x!tpu.dma_semaphore, #tpu.memory_space<semaphore_mem>>
        %dma_start3A_840 = tpu.memref_squeeze %dma_start3A_839 : memref<1x!tpu.dma_semaphore, #tpu.memory_space<semaphore_mem>> -> memref<!tpu.dma_semaphore, #tpu.memory_space<semaphore_mem>>
        %dma_start3A_841 = arith.constant 0 : i32
        %dma_start3A_842 = tpu.memref_slice %arg7[%dma_start3A_831, %dma_start3A_841] : memref<2x512xf32, #tpu.memory_space<vmem>> -> memref<1x512xf32, #tpu.memory_space<vmem>>
        %dma_start3A_843 = tpu.memref_squeeze %dma_start3A_842 : memref<1x512xf32, #tpu.memory_space<vmem>> -> memref<512xf32, #tpu.memory_space<vmem>>
        %dma_start3A_844 = arith.constant 0 : i32
        %dma_start3A_845 = tpu.memref_slice %arg4[%add3A_830, %dma_start3A_844] : memref<10880x512xf32, #tpu.memory_space<hbm>> -> memref<1x512xf32, #tpu.memory_space<hbm>>
        %dma_start3A_846 = tpu.memref_squeeze %dma_start3A_845 : memref<1x512xf32, #tpu.memory_space<hbm>> -> memref<512xf32, #tpu.memory_space<hbm>>
        tpu.enqueue_dma source(%dma_start3A_846 : memref<512xf32, #tpu.memory_space<hbm>>) target(%dma_start3A_843 : memref<512xf32, #tpu.memory_space<vmem>>) target_semaphore(%dma_start3A_840 : memref<!tpu.dma_semaphore, #tpu.memory_space<semaphore_mem>>)
      } else {
      }
    }
    %scan3A_182 = arith.constant 170 : i32
    %dma_wait3A_183 = arith.constant 0 : i32
    %dma_wait3A_184 = arith.constant 0 : i32
    %dma_wait3A_185 = arith.constant 0 : i32
    %dma_wait3A_186 = arith.constant 0 : i32
    %dma_wait3A_187 = tpu.memref_slice %arg9[%dma_wait3A_183, %dma_wait3A_186] : memref<2x256xf32, #tpu.memory_space<vmem>> -> memref<1x256xf32, #tpu.memory_space<vmem>>
    %dma_wait3A_188 = tpu.memref_squeeze %dma_wait3A_187 : memref<1x256xf32, #tpu.memory_space<vmem>> -> memref<256xf32, #tpu.memory_space<vmem>>
    %dma_wait3A_189 = arith.constant 0 : i32
    %dma_wait3A_190 = tpu.memref_slice %arg5[%dma_wait3A_184, %dma_wait3A_189] : memref<10880x256xf32, #tpu.memory_space<hbm>> -> memref<1x256xf32, #tpu.memory_space<hbm>>
    %dma_wait3A_191 = tpu.memref_squeeze %dma_wait3A_190 : memref<1x256xf32, #tpu.memory_space<hbm>> -> memref<256xf32, #tpu.memory_space<hbm>>
    %dma_wait3A_192 = tpu.memref_slice %arg12[%dma_wait3A_185] : memref<2x!tpu.dma_semaphore, #tpu.memory_space<semaphore_mem>> -> memref<1x!tpu.dma_semaphore, #tpu.memory_space<semaphore_mem>>
    %dma_wait3A_193 = tpu.memref_squeeze %dma_wait3A_192 : memref<1x!tpu.dma_semaphore, #tpu.memory_space<semaphore_mem>> -> memref<!tpu.dma_semaphore, #tpu.memory_space<semaphore_mem>>
    %dma_wait3A_194 = arith.constant 0 : i32
    %dma_wait3A_195 = tpu.memref_slice %arg5[%dma_wait3A_184, %dma_wait3A_194] : memref<10880x256xf32, #tpu.memory_space<hbm>> -> memref<1x256xf32, #tpu.memory_space<hbm>>
    %dma_wait3A_196 = tpu.memref_squeeze %dma_wait3A_195 : memref<1x256xf32, #tpu.memory_space<hbm>> -> memref<256xf32, #tpu.memory_space<hbm>>
    %dma_wait3A_197 = arith.constant 0 : i32
    %dma_wait3A_198 = tpu.memref_slice %arg9[%dma_wait3A_183, %dma_wait3A_197] : memref<2x256xf32, #tpu.memory_space<vmem>> -> memref<1x256xf32, #tpu.memory_space<vmem>>
    %dma_wait3A_199 = tpu.memref_squeeze %dma_wait3A_198 : memref<1x256xf32, #tpu.memory_space<vmem>> -> memref<256xf32, #tpu.memory_space<vmem>>
    tpu.wait_dma2 semaphore(%dma_wait3A_193 : memref<!tpu.dma_semaphore, #tpu.memory_space<semaphore_mem>>) src(%dma_wait3A_199 : memref<256xf32, #tpu.memory_space<vmem>>) dst(%dma_wait3A_196 : memref<256xf32, #tpu.memory_space<hbm>>)
    %dma_wait3A_200 = arith.constant 1 : i32
    %dma_wait3A_201 = arith.constant 0 : i32
    %dma_wait3A_202 = arith.constant 1 : i32
    %dma_wait3A_203 = arith.constant 0 : i32
    %dma_wait3A_204 = tpu.memref_slice %arg9[%dma_wait3A_200, %dma_wait3A_203] : memref<2x256xf32, #tpu.memory_space<vmem>> -> memref<1x256xf32, #tpu.memory_space<vmem>>
    %dma_wait3A_205 = tpu.memref_squeeze %dma_wait3A_204 : memref<1x256xf32, #tpu.memory_space<vmem>> -> memref<256xf32, #tpu.memory_space<vmem>>
    %dma_wait3A_206 = arith.constant 0 : i32
    %dma_wait3A_207 = tpu.memref_slice %arg5[%dma_wait3A_201, %dma_wait3A_206] : memref<10880x256xf32, #tpu.memory_space<hbm>> -> memref<1x256xf32, #tpu.memory_space<hbm>>
    %dma_wait3A_208 = tpu.memref_squeeze %dma_wait3A_207 : memref<1x256xf32, #tpu.memory_space<hbm>> -> memref<256xf32, #tpu.memory_space<hbm>>
    %dma_wait3A_209 = tpu.memref_slice %arg12[%dma_wait3A_202] : memref<2x!tpu.dma_semaphore, #tpu.memory_space<semaphore_mem>> -> memref<1x!tpu.dma_semaphore, #tpu.memory_space<semaphore_mem>>
    %dma_wait3A_210 = tpu.memref_squeeze %dma_wait3A_209 : memref<1x!tpu.dma_semaphore, #tpu.memory_space<semaphore_mem>> -> memref<!tpu.dma_semaphore, #tpu.memory_space<semaphore_mem>>
    %dma_wait3A_211 = arith.constant 0 : i32
    %dma_wait3A_212 = tpu.memref_slice %arg5[%dma_wait3A_201, %dma_wait3A_211] : memref<10880x256xf32, #tpu.memory_space<hbm>> -> memref<1x256xf32, #tpu.memory_space<hbm>>
    %dma_wait3A_213 = tpu.memref_squeeze %dma_wait3A_212 : memref<1x256xf32, #tpu.memory_space<hbm>> -> memref<256xf32, #tpu.memory_space<hbm>>
    %dma_wait3A_214 = arith.constant 0 : i32
    %dma_wait3A_215 = tpu.memref_slice %arg9[%dma_wait3A_200, %dma_wait3A_214] : memref<2x256xf32, #tpu.memory_space<vmem>> -> memref<1x256xf32, #tpu.memory_space<vmem>>
    %dma_wait3A_216 = tpu.memref_squeeze %dma_wait3A_215 : memref<1x256xf32, #tpu.memory_space<vmem>> -> memref<256xf32, #tpu.memory_space<vmem>>
    tpu.wait_dma2 semaphore(%dma_wait3A_210 : memref<!tpu.dma_semaphore, #tpu.memory_space<semaphore_mem>>) src(%dma_wait3A_216 : memref<256xf32, #tpu.memory_space<vmem>>) dst(%dma_wait3A_213 : memref<256xf32, #tpu.memory_space<hbm>>)
    return
  }
}

module attributes {stable_mosaic.version = 14 : i64} {
  func.func @_prep_body(%arg0: i32, %arg1: i32, %arg2: memref<1x680x256xf32, #tpu.memory_space<vmem>>, %arg3: memref<1x680x128xf32, #tpu.memory_space<vmem>>, %arg4: memref<1x680x128xf32, #tpu.memory_space<vmem>>, %arg5: memref<256x256xf32, #tpu.memory_space<vmem>>, %arg6: memref<1x256xf32, #tpu.memory_space<vmem>>, %arg7: memref<128x256xf32, #tpu.memory_space<vmem>>, %arg8: memref<1x128xf32, #tpu.memory_space<vmem>>, %arg9: memref<128x256xf32, #tpu.memory_space<vmem>>, %arg10: memref<1x128xf32, #tpu.memory_space<vmem>>, %arg11: memref<128x256xf32, #tpu.memory_space<vmem>>, %arg12: memref<1x128xf32, #tpu.memory_space<vmem>>, %arg13: memref<8x128xi32, #tpu.memory_space<vmem>>, %arg14: memref<8x128xf32, #tpu.memory_space<vmem>>, %arg15: memref<1x680x256xf32, #tpu.memory_space<vmem>>, %arg16: memref<1x680x4x128xi32, #tpu.memory_space<vmem>>, %arg17: memref<1x680x4x128xf32, #tpu.memory_space<vmem>>) attributes {dimension_semantics = [#tpu.dimension_semantics<arbitrary>, #tpu.dimension_semantics<arbitrary>], iteration_bounds = array<i64: 2, 8>, scalar_prefetch = 0 : i64, scratch_operands = 0 : i64, tpu.core_type = #tpu.core_type<tc>, window_params = [{transform_indices = @transform_0, window_bounds = array<i64: 1, 680, 256>}, {transform_indices = @transform_1, window_bounds = array<i64: 1, 680, 128>}, {transform_indices = @transform_2, window_bounds = array<i64: 1, 680, 128>}, {pipeline_mode = #tpu.pipeline_mode<synchronous>, transform_indices = @transform_3, window_bounds = array<i64: 256, 256>}, {pipeline_mode = #tpu.pipeline_mode<synchronous>, transform_indices = @transform_4, window_bounds = array<i64: 1, 256>}, {pipeline_mode = #tpu.pipeline_mode<synchronous>, transform_indices = @transform_5, window_bounds = array<i64: 128, 256>}, {pipeline_mode = #tpu.pipeline_mode<synchronous>, transform_indices = @transform_6, window_bounds = array<i64: 1, 128>}, {pipeline_mode = #tpu.pipeline_mode<synchronous>, transform_indices = @transform_7, window_bounds = array<i64: 128, 256>}, {pipeline_mode = #tpu.pipeline_mode<synchronous>, transform_indices = @transform_8, window_bounds = array<i64: 1, 128>}, {pipeline_mode = #tpu.pipeline_mode<synchronous>, transform_indices = @transform_9, window_bounds = array<i64: 128, 256>}, {pipeline_mode = #tpu.pipeline_mode<synchronous>, transform_indices = @transform_10, window_bounds = array<i64: 1, 128>}, {pipeline_mode = #tpu.pipeline_mode<synchronous>, transform_indices = @transform_11, window_bounds = array<i64: 8, 128>}, {pipeline_mode = #tpu.pipeline_mode<synchronous>, transform_indices = @transform_12, window_bounds = array<i64: 8, 128>}, {transform_indices = @transform_13, window_bounds = array<i64: 1, 680, 256>}, {transform_indices = @transform_14, window_bounds = array<i64: 1, 680, 4, 128>}, {transform_indices = @transform_15, window_bounds = array<i64: 1, 680, 4, 128>}]} {
    %get3A = arith.constant 0 : index
    %get3A_0 = arith.constant 0 : index
    %get3A_1 = arith.constant 0 : index
    %get3A_2 = vector.load %arg2[%get3A, %get3A_0, %get3A_1] : memref<1x680x256xf32, #tpu.memory_space<vmem>>, vector<1x680x256xf32>
    %get3A_3 = vector.shape_cast %get3A_2 : vector<1x680x256xf32> to vector<680x256xf32>
    %get3A_4 = arith.constant 0 : index
    %get3A_5 = arith.constant 0 : index
    %get3A_6 = vector.load %arg5[%get3A_4, %get3A_5] : memref<256x256xf32, #tpu.memory_space<vmem>>, vector<256x256xf32>
    %dot_general3A = arith.constant dense<0.000000e+00> : vector<680x256xf32>
    %dot_general3A_7 = tpu.matmul %get3A_3, %get3A_6, %dot_general3A {dimension_numbers = #tpu.dot_dimension_numbers<[1], [1], [0], [0], [0, 0, 1, 0], [], []>, transpose_lhs_hint = false} : vector<680x256xf32>, vector<256x256xf32>, vector<680x256xf32> -> vector<680x256xf32>
    %get3A_8 = arith.constant 0 : index
    %get3A_9 = arith.constant 0 : index
    %get3A_10 = vector.load %arg6[%get3A_8, %get3A_9] : memref<1x256xf32, #tpu.memory_space<vmem>>, vector<1x256xf32>
    %get3A_11 = vector.shape_cast %get3A_10 : vector<1x256xf32> to vector<256xf32>
    %broadcast_in_dim3A = vector.shape_cast %get3A_11 : vector<256xf32> to vector<1x256xf32>
    %add3A = vector.broadcast %broadcast_in_dim3A : vector<1x256xf32> to vector<680x256xf32>
    %add3A_12 = arith.addf %dot_general3A_7, %add3A : vector<680x256xf32>
    %swap3A = arith.constant 0 : index
    %swap3A_13 = arith.constant 0 : index
    %swap3A_14 = arith.constant 0 : index
    %swap3A_15 = vector.load %arg15[%swap3A, %swap3A_13, %swap3A_14] : memref<1x680x256xf32, #tpu.memory_space<vmem>>, vector<1x680x256xf32>
    %swap3A_16 = vector.shape_cast %swap3A_15 : vector<1x680x256xf32> to vector<680x256xf32>
    %swap3A_17 = vector.shape_cast %add3A_12 : vector<680x256xf32> to vector<1x680x256xf32>
    tpu.vector_store %arg15[%swap3A, %swap3A_13, %swap3A_14], %swap3A_17 {strides = array<i32>} : memref<1x680x256xf32, #tpu.memory_space<vmem>>, vector<1x680x256xf32>,
    %get3A_18 = arith.constant 0 : index
    %get3A_19 = arith.constant 0 : index
    %get3A_20 = vector.load %arg7[%get3A_18, %get3A_19] : memref<128x256xf32, #tpu.memory_space<vmem>>, vector<128x256xf32>
    %dot_general3A_21 = arith.constant dense<0.000000e+00> : vector<680x128xf32>
    %dot_general3A_22 = tpu.matmul %get3A_3, %get3A_20, %dot_general3A_21 {dimension_numbers = #tpu.dot_dimension_numbers<[1], [1], [0], [0], [0, 0, 1, 0], [], []>, transpose_lhs_hint = false} : vector<680x256xf32>, vector<128x256xf32>, vector<680x128xf32> -> vector<680x128xf32>
    %get3A_23 = arith.constant 0 : index
    %get3A_24 = arith.constant 0 : index
    %get3A_25 = vector.load %arg8[%get3A_23, %get3A_24] : memref<1x128xf32, #tpu.memory_space<vmem>>, vector<1x128xf32>
    %get3A_26 = vector.shape_cast %get3A_25 : vector<1x128xf32> to vector<128xf32>
    %broadcast_in_dim3A_27 = vector.shape_cast %get3A_26 : vector<128xf32> to vector<1x128xf32>
    %add3A_28 = vector.broadcast %broadcast_in_dim3A_27 : vector<1x128xf32> to vector<680x128xf32>
    %add3A_29 = arith.addf %dot_general3A_22, %add3A_28 : vector<680x128xf32>
    %get3A_30 = arith.constant 0 : index
    %get3A_31 = arith.constant 0 : index
    %get3A_32 = vector.load %arg9[%get3A_30, %get3A_31] : memref<128x256xf32, #tpu.memory_space<vmem>>, vector<128x256xf32>
    %dot_general3A_33 = arith.constant dense<0.000000e+00> : vector<680x128xf32>
    %dot_general3A_34 = tpu.matmul %get3A_3, %get3A_32, %dot_general3A_33 {dimension_numbers = #tpu.dot_dimension_numbers<[1], [1], [0], [0], [0, 0, 1, 0], [], []>, transpose_lhs_hint = false} : vector<680x256xf32>, vector<128x256xf32>, vector<680x128xf32> -> vector<680x128xf32>
    %get3A_35 = arith.constant 0 : index
    %get3A_36 = arith.constant 0 : index
    %get3A_37 = vector.load %arg10[%get3A_35, %get3A_36] : memref<1x128xf32, #tpu.memory_space<vmem>>, vector<1x128xf32>
    %get3A_38 = vector.shape_cast %get3A_37 : vector<1x128xf32> to vector<128xf32>
    %broadcast_in_dim3A_39 = vector.shape_cast %get3A_38 : vector<128xf32> to vector<1x128xf32>
    %add3A_40 = vector.broadcast %broadcast_in_dim3A_39 : vector<1x128xf32> to vector<680x128xf32>
    %add3A_41 = arith.addf %dot_general3A_34, %add3A_40 : vector<680x128xf32>
    %get3A_42 = arith.constant 0 : index
    %get3A_43 = arith.constant 0 : index
    %get3A_44 = vector.load %arg11[%get3A_42, %get3A_43] : memref<128x256xf32, #tpu.memory_space<vmem>>, vector<128x256xf32>
    %dot_general3A_45 = arith.constant dense<0.000000e+00> : vector<680x128xf32>
    %dot_general3A_46 = tpu.matmul %get3A_3, %get3A_44, %dot_general3A_45 {dimension_numbers = #tpu.dot_dimension_numbers<[1], [1], [0], [0], [0, 0, 1, 0], [], []>, transpose_lhs_hint = false} : vector<680x256xf32>, vector<128x256xf32>, vector<680x128xf32> -> vector<680x128xf32>
    %get3A_47 = arith.constant 0 : index
    %get3A_48 = arith.constant 0 : index
    %get3A_49 = vector.load %arg12[%get3A_47, %get3A_48] : memref<1x128xf32, #tpu.memory_space<vmem>>, vector<1x128xf32>
    %get3A_50 = vector.shape_cast %get3A_49 : vector<1x128xf32> to vector<128xf32>
    %broadcast_in_dim3A_51 = vector.shape_cast %get3A_50 : vector<128xf32> to vector<1x128xf32>
    %add3A_52 = vector.broadcast %broadcast_in_dim3A_51 : vector<1x128xf32> to vector<680x128xf32>
    %add3A_53 = arith.addf %dot_general3A_46, %add3A_52 : vector<680x128xf32>
    %reshape3A = vector.shape_cast %add3A_53 : vector<680x128xf32> to vector<680x8x16xf32>
    %reduce_max3A = arith.constant dense<0xFF800000> : vector<680x8xf32>
    %reduce_max3A_54 = vector.multi_reduction <maximumf>, %reshape3A, %reduce_max3A [2] : vector<680x8x16xf32> to vector<680x8xf32>
    %broadcast_in_dim3A_55 = vector.shape_cast %reduce_max3A_54 : vector<680x8xf32> to vector<680x8x1xf32>
    %sub3A = vector.broadcast %broadcast_in_dim3A_55 : vector<680x8x1xf32> to vector<680x8x16xf32>
    %sub3A_56 = arith.subf %reshape3A, %sub3A : vector<680x8x16xf32>
    %exp3A = math.exp %sub3A_56 : vector<680x8x16xf32>
    %reduce_sum3A = arith.constant dense<0.000000e+00> : vector<680x8xf32>
    %reduce_sum3A_57 = vector.multi_reduction <add>, %exp3A, %reduce_sum3A [2] : vector<680x8x16xf32> to vector<680x8xf32>
    %broadcast_in_dim3A_58 = vector.shape_cast %reduce_sum3A_57 : vector<680x8xf32> to vector<680x8x1xf32>
    %div3A = vector.broadcast %broadcast_in_dim3A_58 : vector<680x8x1xf32> to vector<680x8x16xf32>
    %div3A_59 = arith.divf %exp3A, %div3A : vector<680x8x16xf32>
    %reshape3A_60 = vector.shape_cast %div3A_59 : vector<680x8x16xf32> to vector<680x128xf32>
    %get3A_61 = arith.constant 0 : index
    %get3A_62 = arith.constant 0 : index
    %get3A_63 = vector.load %arg14[%get3A_61, %get3A_62] : memref<8x128xf32, #tpu.memory_space<vmem>>, vector<1x128xf32>
    %get3A_64 = vector.shape_cast %get3A_63 : vector<1x128xf32> to vector<128xf32>
    %broadcast_in_dim3A_65 = vector.shape_cast %get3A_64 : vector<128xf32> to vector<1x128xf32>
    %get3A_66 = arith.constant 1 : index
    %get3A_67 = arith.constant 0 : index
    %get3A_68 = vector.load %arg14[%get3A_66, %get3A_67] : memref<8x128xf32, #tpu.memory_space<vmem>>, vector<1x128xf32>
    %get3A_69 = vector.shape_cast %get3A_68 : vector<1x128xf32> to vector<128xf32>
    %broadcast_in_dim3A_70 = vector.shape_cast %get3A_69 : vector<128xf32> to vector<1x128xf32>
    %get3A_71 = arith.constant 0 : index
    %get3A_72 = arith.constant 0 : index
    %get3A_73 = vector.load %arg13[%get3A_71, %get3A_72] : memref<8x128xi32, #tpu.memory_space<vmem>>, vector<1x128xi32>
    %get3A_74 = vector.shape_cast %get3A_73 : vector<1x128xi32> to vector<128xi32>
    %broadcast_in_dim3A_75 = vector.shape_cast %get3A_74 : vector<128xi32> to vector<1x128xi32>
    %get3A_76 = arith.constant 1 : index
    %get3A_77 = arith.constant 0 : index
    %get3A_78 = vector.load %arg13[%get3A_76, %get3A_77] : memref<8x128xi32, #tpu.memory_space<vmem>>, vector<1x128xi32>
    %get3A_79 = vector.shape_cast %get3A_78 : vector<1x128xi32> to vector<128xi32>
    %broadcast_in_dim3A_80 = vector.shape_cast %get3A_79 : vector<128xi32> to vector<1x128xi32>
    %get3A_81 = arith.constant 2 : index
    %get3A_82 = arith.constant 0 : index
    %get3A_83 = vector.load %arg13[%get3A_81, %get3A_82] : memref<8x128xi32, #tpu.memory_space<vmem>>, vector<1x128xi32>
    %get3A_84 = vector.shape_cast %get3A_83 : vector<1x128xi32> to vector<128xi32>
    %broadcast_in_dim3A_85 = vector.shape_cast %get3A_84 : vector<128xi32> to vector<1x128xi32>
    %get3A_86 = arith.constant 3 : index
    %get3A_87 = arith.constant 0 : index
    %get3A_88 = vector.load %arg13[%get3A_86, %get3A_87] : memref<8x128xi32, #tpu.memory_space<vmem>>, vector<1x128xi32>
    %get3A_89 = vector.shape_cast %get3A_88 : vector<1x128xi32> to vector<128xi32>
    %broadcast_in_dim3A_90 = vector.shape_cast %get3A_89 : vector<128xi32> to vector<1x128xi32>
    %get3A_91 = arith.constant 4 : index
    %get3A_92 = arith.constant 0 : index
    %get3A_93 = vector.load %arg13[%get3A_91, %get3A_92] : memref<8x128xi32, #tpu.memory_space<vmem>>, vector<1x128xi32>
    %get3A_94 = vector.shape_cast %get3A_93 : vector<1x128xi32> to vector<128xi32>
    %broadcast_in_dim3A_95 = vector.shape_cast %get3A_94 : vector<128xi32> to vector<1x128xi32>
    %get3A_96 = arith.constant 0 : index
    %get3A_97 = arith.constant 0 : index
    %get3A_98 = arith.constant 0 : index
    %get3A_99 = vector.load %arg3[%get3A_96, %get3A_97, %get3A_98] : memref<1x680x128xf32, #tpu.memory_space<vmem>>, vector<1x680x128xf32>
    %get3A_100 = vector.shape_cast %get3A_99 : vector<1x680x128xf32> to vector<680x128xf32>
    %mul3A = vector.broadcast %broadcast_in_dim3A_65 : vector<1x128xf32> to vector<680x128xf32>
    %mul3A_101 = arith.mulf %get3A_100, %mul3A : vector<680x128xf32>
    %add3A_102 = arith.addf %mul3A_101, %add3A_29 : vector<680x128xf32>
    %sub3A_103 = arith.constant 5.000000e-01 : f32
    %sub3A_104 = vector.broadcast %sub3A_103 : f32 to vector<680x128xf32>
    %sub3A_105 = arith.subf %add3A_102, %sub3A_104 : vector<680x128xf32>
    %get3A_106 = arith.constant 0 : index
    %get3A_107 = arith.constant 0 : index
    %get3A_108 = arith.constant 0 : index
    %get3A_109 = vector.load %arg4[%get3A_106, %get3A_107, %get3A_108] : memref<1x680x128xf32, #tpu.memory_space<vmem>>, vector<1x680x128xf32>
    %get3A_110 = vector.shape_cast %get3A_109 : vector<1x680x128xf32> to vector<680x128xf32>
    %mul3A_111 = vector.broadcast %broadcast_in_dim3A_70 : vector<1x128xf32> to vector<680x128xf32>
    %mul3A_112 = arith.mulf %get3A_110, %mul3A_111 : vector<680x128xf32>
    %add3A_113 = arith.addf %mul3A_112, %add3A_41 : vector<680x128xf32>
    %sub3A_114 = arith.constant 5.000000e-01 : f32
    %sub3A_115 = vector.broadcast %sub3A_114 : f32 to vector<680x128xf32>
    %sub3A_116 = arith.subf %add3A_113, %sub3A_115 : vector<680x128xf32>
    %floor3A = math.floor %sub3A_105 : vector<680x128xf32>
    %floor3A_117 = math.floor %sub3A_116 : vector<680x128xf32>
    %sub3A_118 = arith.subf %sub3A_105, %floor3A : vector<680x128xf32>
    %sub3A_119 = arith.subf %sub3A_116, %floor3A_117 : vector<680x128xf32>
    %convert_element_type3A = arith.fptosi %floor3A : vector<680x128xf32> to vector<680x128xi32>
    %convert_element_type3A_120 = arith.fptosi %floor3A_117 : vector<680x128xf32> to vector<680x128xi32>
    %sub3A_121 = arith.constant 1.000000e+00 : f32
    %sub3A_122 = vector.broadcast %sub3A_121 : f32 to vector<680x128xf32>
    %sub3A_123 = arith.subf %sub3A_122, %sub3A_118 : vector<680x128xf32>
    %sub3A_124 = arith.constant 1.000000e+00 : f32
    %sub3A_125 = vector.broadcast %sub3A_124 : f32 to vector<680x128xf32>
    %sub3A_126 = arith.subf %sub3A_125, %sub3A_119 : vector<680x128xf32>
    %mul3A_127 = arith.constant 43520 : i32
    %mul3A_128 = arith.muli %arg0, %mul3A_127 : i32
    %add3A_129 = vector.broadcast %mul3A_128 : i32 to vector<1x128xi32>
    %add3A_130 = arith.addi %add3A_129, %broadcast_in_dim3A_90 : vector<1x128xi32>
    %add3A_131 = arith.constant 0 : i32
    %add3A_132 = vector.broadcast %add3A_131 : i32 to vector<680x128xi32>
    %add3A_133 = arith.addi %convert_element_type3A, %add3A_132 : vector<680x128xi32>
    %add3A_134 = arith.constant 0 : i32
    %add3A_135 = vector.broadcast %add3A_134 : i32 to vector<680x128xi32>
    %add3A_136 = arith.addi %convert_element_type3A_120, %add3A_135 : vector<680x128xi32>
    %ge3A = arith.constant 0 : i32
    %ge3A_137 = vector.broadcast %ge3A : i32 to vector<680x128xi32>
    %ge3A_138 = arith.cmpi sge, %add3A_133, %ge3A_137 : vector<680x128xi32>
    %le3A = vector.broadcast %broadcast_in_dim3A_75 : vector<1x128xi32> to vector<680x128xi32>
    %le3A_139 = arith.cmpi sle, %add3A_133, %le3A : vector<680x128xi32>
    %and3A = arith.andi %ge3A_138, %le3A_139 : vector<680x128xi1>
    %ge3A_140 = arith.constant 0 : i32
    %ge3A_141 = vector.broadcast %ge3A_140 : i32 to vector<680x128xi32>
    %ge3A_142 = arith.cmpi sge, %add3A_136, %ge3A_141 : vector<680x128xi32>
    %and3A_143 = arith.andi %and3A, %ge3A_142 : vector<680x128xi1>
    %le3A_144 = vector.broadcast %broadcast_in_dim3A_80 : vector<1x128xi32> to vector<680x128xi32>
    %le3A_145 = arith.cmpi sle, %add3A_136, %le3A_144 : vector<680x128xi32>
    %and3A_146 = arith.andi %and3A_143, %le3A_145 : vector<680x128xi1>
    %jit3A = arith.constant 0 : i32
    %max3A = vector.broadcast %jit3A : i32 to vector<680x128xi32>
    %max3A_147 = arith.maxsi %max3A, %add3A_133 : vector<680x128xi32>
    %min3A = vector.broadcast %broadcast_in_dim3A_75 : vector<1x128xi32> to vector<680x128xi32>
    %min3A_148 = arith.minsi %min3A, %max3A_147 : vector<680x128xi32>
    %jit3A_149 = arith.constant 0 : i32
    %max3A_150 = vector.broadcast %jit3A_149 : i32 to vector<680x128xi32>
    %max3A_151 = arith.maxsi %max3A_150, %add3A_136 : vector<680x128xi32>
    %min3A_152 = vector.broadcast %broadcast_in_dim3A_80 : vector<1x128xi32> to vector<680x128xi32>
    %min3A_153 = arith.minsi %min3A_152, %max3A_151 : vector<680x128xi32>
    %mul3A_154 = vector.broadcast %broadcast_in_dim3A_95 : vector<1x128xi32> to vector<680x128xi32>
    %mul3A_155 = arith.muli %min3A_153, %mul3A_154 : vector<680x128xi32>
    %add3A_156 = vector.broadcast %broadcast_in_dim3A_85 : vector<1x128xi32> to vector<680x128xi32>
    %add3A_157 = arith.addi %add3A_156, %mul3A_155 : vector<680x128xi32>
    %add3A_158 = arith.addi %add3A_157, %min3A_148 : vector<680x128xi32>
    %mul3A_159 = arith.constant 8 : i32
    %mul3A_160 = vector.broadcast %mul3A_159 : i32 to vector<680x128xi32>
    %mul3A_161 = arith.muli %add3A_158, %mul3A_160 : vector<680x128xi32>
    %add3A_162 = vector.broadcast %add3A_130 : vector<1x128xi32> to vector<680x128xi32>
    %add3A_163 = arith.addi %add3A_162, %mul3A_161 : vector<680x128xi32>
    %swap3A_164 = arith.constant 0 : index
    %swap3A_165 = arith.constant 0 : index
    %swap3A_166 = arith.constant 0 : index
    %swap3A_167 = arith.constant 0 : index
    %swap3A_168 = vector.load %arg16[%swap3A_164, %swap3A_165, %swap3A_166, %swap3A_167] : memref<1x680x4x128xi32, #tpu.memory_space<vmem>>, vector<1x680x1x128xi32>
    %swap3A_169 = vector.shape_cast %swap3A_168 : vector<1x680x1x128xi32> to vector<680x128xi32>
    %swap3A_170 = vector.shape_cast %add3A_163 : vector<680x128xi32> to vector<1x680x1x128xi32>
    tpu.vector_store %arg16[%swap3A_164, %swap3A_165, %swap3A_166, %swap3A_167], %swap3A_170 {strides = array<i32>} : memref<1x680x4x128xi32, #tpu.memory_space<vmem>>, vector<1x680x1x128xi32>,
    %mul3A_171 = arith.mulf %reshape3A_60, %sub3A_123 : vector<680x128xf32>
    %mul3A_172 = arith.mulf %mul3A_171, %sub3A_126 : vector<680x128xf32>
    %convert_element_type3A_173 = arith.extui %and3A_146 : vector<680x128xi1> to vector<680x128xi32>
    %convert_element_type3A_174 = arith.sitofp %convert_element_type3A_173 : vector<680x128xi32> to vector<680x128xf32>
    %mul3A_175 = arith.mulf %mul3A_172, %convert_element_type3A_174 : vector<680x128xf32>
    %swap3A_176 = arith.constant 0 : index
    %swap3A_177 = arith.constant 0 : index
    %swap3A_178 = arith.constant 0 : index
    %swap3A_179 = arith.constant 0 : index
    %swap3A_180 = vector.load %arg17[%swap3A_176, %swap3A_177, %swap3A_178, %swap3A_179] : memref<1x680x4x128xf32, #tpu.memory_space<vmem>>, vector<1x680x1x128xf32>
    %swap3A_181 = vector.shape_cast %swap3A_180 : vector<1x680x1x128xf32> to vector<680x128xf32>
    %swap3A_182 = vector.shape_cast %mul3A_175 : vector<680x128xf32> to vector<1x680x1x128xf32>
    tpu.vector_store %arg17[%swap3A_176, %swap3A_177, %swap3A_178, %swap3A_179], %swap3A_182 {strides = array<i32>} : memref<1x680x4x128xf32, #tpu.memory_space<vmem>>, vector<1x680x1x128xf32>,
    %add3A_183 = arith.constant 1 : i32
    %add3A_184 = vector.broadcast %add3A_183 : i32 to vector<680x128xi32>
    %add3A_185 = arith.addi %convert_element_type3A, %add3A_184 : vector<680x128xi32>
    %add3A_186 = arith.constant 0 : i32
    %add3A_187 = vector.broadcast %add3A_186 : i32 to vector<680x128xi32>
    %add3A_188 = arith.addi %convert_element_type3A_120, %add3A_187 : vector<680x128xi32>
    %ge3A_189 = arith.constant 0 : i32
    %ge3A_190 = vector.broadcast %ge3A_189 : i32 to vector<680x128xi32>
    %ge3A_191 = arith.cmpi sge, %add3A_185, %ge3A_190 : vector<680x128xi32>
    %le3A_192 = vector.broadcast %broadcast_in_dim3A_75 : vector<1x128xi32> to vector<680x128xi32>
    %le3A_193 = arith.cmpi sle, %add3A_185, %le3A_192 : vector<680x128xi32>
    %and3A_194 = arith.andi %ge3A_191, %le3A_193 : vector<680x128xi1>
    %ge3A_195 = arith.constant 0 : i32
    %ge3A_196 = vector.broadcast %ge3A_195 : i32 to vector<680x128xi32>
    %ge3A_197 = arith.cmpi sge, %add3A_188, %ge3A_196 : vector<680x128xi32>
    %and3A_198 = arith.andi %and3A_194, %ge3A_197 : vector<680x128xi1>
    %le3A_199 = vector.broadcast %broadcast_in_dim3A_80 : vector<1x128xi32> to vector<680x128xi32>
    %le3A_200 = arith.cmpi sle, %add3A_188, %le3A_199 : vector<680x128xi32>
    %and3A_201 = arith.andi %and3A_198, %le3A_200 : vector<680x128xi1>
    %jit3A_202 = arith.constant 0 : i32
    %max3A_203 = vector.broadcast %jit3A_202 : i32 to vector<680x128xi32>
    %max3A_204 = arith.maxsi %max3A_203, %add3A_185 : vector<680x128xi32>
    %min3A_205 = vector.broadcast %broadcast_in_dim3A_75 : vector<1x128xi32> to vector<680x128xi32>
    %min3A_206 = arith.minsi %min3A_205, %max3A_204 : vector<680x128xi32>
    %jit3A_207 = arith.constant 0 : i32
    %max3A_208 = vector.broadcast %jit3A_207 : i32 to vector<680x128xi32>
    %max3A_209 = arith.maxsi %max3A_208, %add3A_188 : vector<680x128xi32>
    %min3A_210 = vector.broadcast %broadcast_in_dim3A_80 : vector<1x128xi32> to vector<680x128xi32>
    %min3A_211 = arith.minsi %min3A_210, %max3A_209 : vector<680x128xi32>
    %mul3A_212 = vector.broadcast %broadcast_in_dim3A_95 : vector<1x128xi32> to vector<680x128xi32>
    %mul3A_213 = arith.muli %min3A_211, %mul3A_212 : vector<680x128xi32>
    %add3A_214 = vector.broadcast %broadcast_in_dim3A_85 : vector<1x128xi32> to vector<680x128xi32>
    %add3A_215 = arith.addi %add3A_214, %mul3A_213 : vector<680x128xi32>
    %add3A_216 = arith.addi %add3A_215, %min3A_206 : vector<680x128xi32>
    %mul3A_217 = arith.constant 8 : i32
    %mul3A_218 = vector.broadcast %mul3A_217 : i32 to vector<680x128xi32>
    %mul3A_219 = arith.muli %add3A_216, %mul3A_218 : vector<680x128xi32>
    %add3A_220 = vector.broadcast %add3A_130 : vector<1x128xi32> to vector<680x128xi32>
    %add3A_221 = arith.addi %add3A_220, %mul3A_219 : vector<680x128xi32>
    %swap3A_222 = arith.constant 0 : index
    %swap3A_223 = arith.constant 0 : index
    %swap3A_224 = arith.constant 1 : index
    %swap3A_225 = arith.constant 0 : index
    %swap3A_226 = vector.load %arg16[%swap3A_222, %swap3A_223, %swap3A_224, %swap3A_225] : memref<1x680x4x128xi32, #tpu.memory_space<vmem>>, vector<1x680x1x128xi32>
    %swap3A_227 = vector.shape_cast %swap3A_226 : vector<1x680x1x128xi32> to vector<680x128xi32>
    %swap3A_228 = vector.shape_cast %add3A_221 : vector<680x128xi32> to vector<1x680x1x128xi32>
    tpu.vector_store %arg16[%swap3A_222, %swap3A_223, %swap3A_224, %swap3A_225], %swap3A_228 {strides = array<i32>} : memref<1x680x4x128xi32, #tpu.memory_space<vmem>>, vector<1x680x1x128xi32>,
    %mul3A_229 = arith.mulf %reshape3A_60, %sub3A_118 : vector<680x128xf32>
    %mul3A_230 = arith.mulf %mul3A_229, %sub3A_126 : vector<680x128xf32>
    %convert_element_type3A_231 = arith.extui %and3A_201 : vector<680x128xi1> to vector<680x128xi32>
    %convert_element_type3A_232 = arith.sitofp %convert_element_type3A_231 : vector<680x128xi32> to vector<680x128xf32>
    %mul3A_233 = arith.mulf %mul3A_230, %convert_element_type3A_232 : vector<680x128xf32>
    %swap3A_234 = arith.constant 0 : index
    %swap3A_235 = arith.constant 0 : index
    %swap3A_236 = arith.constant 1 : index
    %swap3A_237 = arith.constant 0 : index
    %swap3A_238 = vector.load %arg17[%swap3A_234, %swap3A_235, %swap3A_236, %swap3A_237] : memref<1x680x4x128xf32, #tpu.memory_space<vmem>>, vector<1x680x1x128xf32>
    %swap3A_239 = vector.shape_cast %swap3A_238 : vector<1x680x1x128xf32> to vector<680x128xf32>
    %swap3A_240 = vector.shape_cast %mul3A_233 : vector<680x128xf32> to vector<1x680x1x128xf32>
    tpu.vector_store %arg17[%swap3A_234, %swap3A_235, %swap3A_236, %swap3A_237], %swap3A_240 {strides = array<i32>} : memref<1x680x4x128xf32, #tpu.memory_space<vmem>>, vector<1x680x1x128xf32>,
    %add3A_241 = arith.constant 0 : i32
    %add3A_242 = vector.broadcast %add3A_241 : i32 to vector<680x128xi32>
    %add3A_243 = arith.addi %convert_element_type3A, %add3A_242 : vector<680x128xi32>
    %add3A_244 = arith.constant 1 : i32
    %add3A_245 = vector.broadcast %add3A_244 : i32 to vector<680x128xi32>
    %add3A_246 = arith.addi %convert_element_type3A_120, %add3A_245 : vector<680x128xi32>
    %ge3A_247 = arith.constant 0 : i32
    %ge3A_248 = vector.broadcast %ge3A_247 : i32 to vector<680x128xi32>
    %ge3A_249 = arith.cmpi sge, %add3A_243, %ge3A_248 : vector<680x128xi32>
    %le3A_250 = vector.broadcast %broadcast_in_dim3A_75 : vector<1x128xi32> to vector<680x128xi32>
    %le3A_251 = arith.cmpi sle, %add3A_243, %le3A_250 : vector<680x128xi32>
    %and3A_252 = arith.andi %ge3A_249, %le3A_251 : vector<680x128xi1>
    %ge3A_253 = arith.constant 0 : i32
    %ge3A_254 = vector.broadcast %ge3A_253 : i32 to vector<680x128xi32>
    %ge3A_255 = arith.cmpi sge, %add3A_246, %ge3A_254 : vector<680x128xi32>
    %and3A_256 = arith.andi %and3A_252, %ge3A_255 : vector<680x128xi1>
    %le3A_257 = vector.broadcast %broadcast_in_dim3A_80 : vector<1x128xi32> to vector<680x128xi32>
    %le3A_258 = arith.cmpi sle, %add3A_246, %le3A_257 : vector<680x128xi32>
    %and3A_259 = arith.andi %and3A_256, %le3A_258 : vector<680x128xi1>
    %jit3A_260 = arith.constant 0 : i32
    %max3A_261 = vector.broadcast %jit3A_260 : i32 to vector<680x128xi32>
    %max3A_262 = arith.maxsi %max3A_261, %add3A_243 : vector<680x128xi32>
    %min3A_263 = vector.broadcast %broadcast_in_dim3A_75 : vector<1x128xi32> to vector<680x128xi32>
    %min3A_264 = arith.minsi %min3A_263, %max3A_262 : vector<680x128xi32>
    %jit3A_265 = arith.constant 0 : i32
    %max3A_266 = vector.broadcast %jit3A_265 : i32 to vector<680x128xi32>
    %max3A_267 = arith.maxsi %max3A_266, %add3A_246 : vector<680x128xi32>
    %min3A_268 = vector.broadcast %broadcast_in_dim3A_80 : vector<1x128xi32> to vector<680x128xi32>
    %min3A_269 = arith.minsi %min3A_268, %max3A_267 : vector<680x128xi32>
    %mul3A_270 = vector.broadcast %broadcast_in_dim3A_95 : vector<1x128xi32> to vector<680x128xi32>
    %mul3A_271 = arith.muli %min3A_269, %mul3A_270 : vector<680x128xi32>
    %add3A_272 = vector.broadcast %broadcast_in_dim3A_85 : vector<1x128xi32> to vector<680x128xi32>
    %add3A_273 = arith.addi %add3A_272, %mul3A_271 : vector<680x128xi32>
    %add3A_274 = arith.addi %add3A_273, %min3A_264 : vector<680x128xi32>
    %mul3A_275 = arith.constant 8 : i32
    %mul3A_276 = vector.broadcast %mul3A_275 : i32 to vector<680x128xi32>
    %mul3A_277 = arith.muli %add3A_274, %mul3A_276 : vector<680x128xi32>
    %add3A_278 = vector.broadcast %add3A_130 : vector<1x128xi32> to vector<680x128xi32>
    %add3A_279 = arith.addi %add3A_278, %mul3A_277 : vector<680x128xi32>
    %swap3A_280 = arith.constant 0 : index
    %swap3A_281 = arith.constant 0 : index
    %swap3A_282 = arith.constant 2 : index
    %swap3A_283 = arith.constant 0 : index
    %swap3A_284 = vector.load %arg16[%swap3A_280, %swap3A_281, %swap3A_282, %swap3A_283] : memref<1x680x4x128xi32, #tpu.memory_space<vmem>>, vector<1x680x1x128xi32>
    %swap3A_285 = vector.shape_cast %swap3A_284 : vector<1x680x1x128xi32> to vector<680x128xi32>
    %swap3A_286 = vector.shape_cast %add3A_279 : vector<680x128xi32> to vector<1x680x1x128xi32>
    tpu.vector_store %arg16[%swap3A_280, %swap3A_281, %swap3A_282, %swap3A_283], %swap3A_286 {strides = array<i32>} : memref<1x680x4x128xi32, #tpu.memory_space<vmem>>, vector<1x680x1x128xi32>,
    %mul3A_287 = arith.mulf %reshape3A_60, %sub3A_123 : vector<680x128xf32>
    %mul3A_288 = arith.mulf %mul3A_287, %sub3A_119 : vector<680x128xf32>
    %convert_element_type3A_289 = arith.extui %and3A_259 : vector<680x128xi1> to vector<680x128xi32>
    %convert_element_type3A_290 = arith.sitofp %convert_element_type3A_289 : vector<680x128xi32> to vector<680x128xf32>
    %mul3A_291 = arith.mulf %mul3A_288, %convert_element_type3A_290 : vector<680x128xf32>
    %swap3A_292 = arith.constant 0 : index
    %swap3A_293 = arith.constant 0 : index
    %swap3A_294 = arith.constant 2 : index
    %swap3A_295 = arith.constant 0 : index
    %swap3A_296 = vector.load %arg17[%swap3A_292, %swap3A_293, %swap3A_294, %swap3A_295] : memref<1x680x4x128xf32, #tpu.memory_space<vmem>>, vector<1x680x1x128xf32>
    %swap3A_297 = vector.shape_cast %swap3A_296 : vector<1x680x1x128xf32> to vector<680x128xf32>
    %swap3A_298 = vector.shape_cast %mul3A_291 : vector<680x128xf32> to vector<1x680x1x128xf32>
    tpu.vector_store %arg17[%swap3A_292, %swap3A_293, %swap3A_294, %swap3A_295], %swap3A_298 {strides = array<i32>} : memref<1x680x4x128xf32, #tpu.memory_space<vmem>>, vector<1x680x1x128xf32>,
    %add3A_299 = arith.constant 1 : i32
    %add3A_300 = vector.broadcast %add3A_299 : i32 to vector<680x128xi32>
    %add3A_301 = arith.addi %convert_element_type3A, %add3A_300 : vector<680x128xi32>
    %add3A_302 = arith.constant 1 : i32
    %add3A_303 = vector.broadcast %add3A_302 : i32 to vector<680x128xi32>
    %add3A_304 = arith.addi %convert_element_type3A_120, %add3A_303 : vector<680x128xi32>
    %ge3A_305 = arith.constant 0 : i32
    %ge3A_306 = vector.broadcast %ge3A_305 : i32 to vector<680x128xi32>
    %ge3A_307 = arith.cmpi sge, %add3A_301, %ge3A_306 : vector<680x128xi32>
    %le3A_308 = vector.broadcast %broadcast_in_dim3A_75 : vector<1x128xi32> to vector<680x128xi32>
    %le3A_309 = arith.cmpi sle, %add3A_301, %le3A_308 : vector<680x128xi32>
    %and3A_310 = arith.andi %ge3A_307, %le3A_309 : vector<680x128xi1>
    %ge3A_311 = arith.constant 0 : i32
    %ge3A_312 = vector.broadcast %ge3A_311 : i32 to vector<680x128xi32>
    %ge3A_313 = arith.cmpi sge, %add3A_304, %ge3A_312 : vector<680x128xi32>
    %and3A_314 = arith.andi %and3A_310, %ge3A_313 : vector<680x128xi1>
    %le3A_315 = vector.broadcast %broadcast_in_dim3A_80 : vector<1x128xi32> to vector<680x128xi32>
    %le3A_316 = arith.cmpi sle, %add3A_304, %le3A_315 : vector<680x128xi32>
    %and3A_317 = arith.andi %and3A_314, %le3A_316 : vector<680x128xi1>
    %jit3A_318 = arith.constant 0 : i32
    %max3A_319 = vector.broadcast %jit3A_318 : i32 to vector<680x128xi32>
    %max3A_320 = arith.maxsi %max3A_319, %add3A_301 : vector<680x128xi32>
    %min3A_321 = vector.broadcast %broadcast_in_dim3A_75 : vector<1x128xi32> to vector<680x128xi32>
    %min3A_322 = arith.minsi %min3A_321, %max3A_320 : vector<680x128xi32>
    %jit3A_323 = arith.constant 0 : i32
    %max3A_324 = vector.broadcast %jit3A_323 : i32 to vector<680x128xi32>
    %max3A_325 = arith.maxsi %max3A_324, %add3A_304 : vector<680x128xi32>
    %min3A_326 = vector.broadcast %broadcast_in_dim3A_80 : vector<1x128xi32> to vector<680x128xi32>
    %min3A_327 = arith.minsi %min3A_326, %max3A_325 : vector<680x128xi32>
    %mul3A_328 = vector.broadcast %broadcast_in_dim3A_95 : vector<1x128xi32> to vector<680x128xi32>
    %mul3A_329 = arith.muli %min3A_327, %mul3A_328 : vector<680x128xi32>
    %add3A_330 = vector.broadcast %broadcast_in_dim3A_85 : vector<1x128xi32> to vector<680x128xi32>
    %add3A_331 = arith.addi %add3A_330, %mul3A_329 : vector<680x128xi32>
    %add3A_332 = arith.addi %add3A_331, %min3A_322 : vector<680x128xi32>
    %mul3A_333 = arith.constant 8 : i32
    %mul3A_334 = vector.broadcast %mul3A_333 : i32 to vector<680x128xi32>
    %mul3A_335 = arith.muli %add3A_332, %mul3A_334 : vector<680x128xi32>
    %add3A_336 = vector.broadcast %add3A_130 : vector<1x128xi32> to vector<680x128xi32>
    %add3A_337 = arith.addi %add3A_336, %mul3A_335 : vector<680x128xi32>
    %swap3A_338 = arith.constant 0 : index
    %swap3A_339 = arith.constant 0 : index
    %swap3A_340 = arith.constant 3 : index
    %swap3A_341 = arith.constant 0 : index
    %swap3A_342 = vector.load %arg16[%swap3A_338, %swap3A_339, %swap3A_340, %swap3A_341] : memref<1x680x4x128xi32, #tpu.memory_space<vmem>>, vector<1x680x1x128xi32>
    %swap3A_343 = vector.shape_cast %swap3A_342 : vector<1x680x1x128xi32> to vector<680x128xi32>
    %swap3A_344 = vector.shape_cast %add3A_337 : vector<680x128xi32> to vector<1x680x1x128xi32>
    tpu.vector_store %arg16[%swap3A_338, %swap3A_339, %swap3A_340, %swap3A_341], %swap3A_344 {strides = array<i32>} : memref<1x680x4x128xi32, #tpu.memory_space<vmem>>, vector<1x680x1x128xi32>,
    %mul3A_345 = arith.mulf %reshape3A_60, %sub3A_118 : vector<680x128xf32>
    %mul3A_346 = arith.mulf %mul3A_345, %sub3A_119 : vector<680x128xf32>
    %convert_element_type3A_347 = arith.extui %and3A_317 : vector<680x128xi1> to vector<680x128xi32>
    %convert_element_type3A_348 = arith.sitofp %convert_element_type3A_347 : vector<680x128xi32> to vector<680x128xf32>
    %mul3A_349 = arith.mulf %mul3A_346, %convert_element_type3A_348 : vector<680x128xf32>
    %swap3A_350 = arith.constant 0 : index
    %swap3A_351 = arith.constant 0 : index
    %swap3A_352 = arith.constant 3 : index
    %swap3A_353 = arith.constant 0 : index
    %swap3A_354 = vector.load %arg17[%swap3A_350, %swap3A_351, %swap3A_352, %swap3A_353] : memref<1x680x4x128xf32, #tpu.memory_space<vmem>>, vector<1x680x1x128xf32>
    %swap3A_355 = vector.shape_cast %swap3A_354 : vector<1x680x1x128xf32> to vector<680x128xf32>
    %swap3A_356 = vector.shape_cast %mul3A_349 : vector<680x128xf32> to vector<1x680x1x128xf32>
    tpu.vector_store %arg17[%swap3A_350, %swap3A_351, %swap3A_352, %swap3A_353], %swap3A_356 {strides = array<i32>} : memref<1x680x4x128xf32, #tpu.memory_space<vmem>>, vector<1x680x1x128xf32>,
    return
  }
  func.func @transform_0(%arg0: i32, %arg1: i32) -> (i32, i32, i32) {
    %c0_i32 = arith.constant 0 : i32
    %c0_i32_0 = arith.constant 0 : i32
    return %arg0, %arg1, %c0_i32 : i32, i32, i32
  }
  func.func @transform_1(%arg0: i32, %arg1: i32) -> (i32, i32, i32) {
    %c0_i32 = arith.constant 0 : i32
    %c0_i32_0 = arith.constant 0 : i32
    return %arg0, %arg1, %c0_i32 : i32, i32, i32
  }
  func.func @transform_2(%arg0: i32, %arg1: i32) -> (i32, i32, i32) {
    %c0_i32 = arith.constant 0 : i32
    %c0_i32_0 = arith.constant 0 : i32
    return %arg0, %arg1, %c0_i32 : i32, i32, i32
  }
  func.func @transform_3(%arg0: i32, %arg1: i32) -> (i32, i32) {
    %c0_i32 = arith.constant 0 : i32
    %c0_i32_0 = arith.constant 0 : i32
    %c0_i32_1 = arith.constant 0 : i32
    return %c0_i32, %c0_i32_0 : i32, i32
  }
  func.func @transform_4(%arg0: i32, %arg1: i32) -> (i32, i32) {
    %c0_i32 = arith.constant 0 : i32
    %c0_i32_0 = arith.constant 0 : i32
    %c0_i32_1 = arith.constant 0 : i32
    return %c0_i32, %c0_i32_0 : i32, i32
  }
  func.func @transform_5(%arg0: i32, %arg1: i32) -> (i32, i32) {
    %c0_i32 = arith.constant 0 : i32
    %c0_i32_0 = arith.constant 0 : i32
    %c0_i32_1 = arith.constant 0 : i32
    return %c0_i32, %c0_i32_0 : i32, i32
  }
  func.func @transform_6(%arg0: i32, %arg1: i32) -> (i32, i32) {
    %c0_i32 = arith.constant 0 : i32
    %c0_i32_0 = arith.constant 0 : i32
    %c0_i32_1 = arith.constant 0 : i32
    return %c0_i32, %c0_i32_0 : i32, i32
  }
  func.func @transform_7(%arg0: i32, %arg1: i32) -> (i32, i32) {
    %c0_i32 = arith.constant 0 : i32
    %c0_i32_0 = arith.constant 0 : i32
    %c0_i32_1 = arith.constant 0 : i32
    return %c0_i32, %c0_i32_0 : i32, i32
  }
  func.func @transform_8(%arg0: i32, %arg1: i32) -> (i32, i32) {
    %c0_i32 = arith.constant 0 : i32
    %c0_i32_0 = arith.constant 0 : i32
    %c0_i32_1 = arith.constant 0 : i32
    return %c0_i32, %c0_i32_0 : i32, i32
  }
  func.func @transform_9(%arg0: i32, %arg1: i32) -> (i32, i32) {
    %c0_i32 = arith.constant 0 : i32
    %c0_i32_0 = arith.constant 0 : i32
    %c0_i32_1 = arith.constant 0 : i32
    return %c0_i32, %c0_i32_0 : i32, i32
  }
  func.func @transform_10(%arg0: i32, %arg1: i32) -> (i32, i32) {
    %c0_i32 = arith.constant 0 : i32
    %c0_i32_0 = arith.constant 0 : i32
    %c0_i32_1 = arith.constant 0 : i32
    return %c0_i32, %c0_i32_0 : i32, i32
  }
  func.func @transform_11(%arg0: i32, %arg1: i32) -> (i32, i32) {
    %c0_i32 = arith.constant 0 : i32
    %c0_i32_0 = arith.constant 0 : i32
    %c0_i32_1 = arith.constant 0 : i32
    return %c0_i32, %c0_i32_0 : i32, i32
  }
  func.func @transform_12(%arg0: i32, %arg1: i32) -> (i32, i32) {
    %c0_i32 = arith.constant 0 : i32
    %c0_i32_0 = arith.constant 0 : i32
    %c0_i32_1 = arith.constant 0 : i32
    return %c0_i32, %c0_i32_0 : i32, i32
  }
  func.func @transform_13(%arg0: i32, %arg1: i32) -> (i32, i32, i32) {
    %c0_i32 = arith.constant 0 : i32
    %c0_i32_0 = arith.constant 0 : i32
    return %arg0, %arg1, %c0_i32 : i32, i32, i32
  }
  func.func @transform_14(%arg0: i32, %arg1: i32) -> (i32, i32, i32, i32) {
    %c0_i32 = arith.constant 0 : i32
    %c0_i32_0 = arith.constant 0 : i32
    %c0_i32_1 = arith.constant 0 : i32
    return %arg0, %arg1, %c0_i32, %c0_i32_0 : i32, i32, i32, i32
  }
  func.func @transform_15(%arg0: i32, %arg1: i32) -> (i32, i32, i32, i32) {
    %c0_i32 = arith.constant 0 : i32
    %c0_i32_0 = arith.constant 0 : i32
    %c0_i32_1 = arith.constant 0 : i32
    return %arg0, %arg1, %c0_i32, %c0_i32_0 : i32, i32, i32, i32
  }
}

module attributes {stable_mosaic.version = 14 : i64} {
  func.func @_out_body(%arg0: i32, %arg1: i32, %arg2: memref<1x680x256xf32, #tpu.memory_space<vmem>>, %arg3: memref<1x680x256xf32, #tpu.memory_space<vmem>>, %arg4: memref<256x256xf32, #tpu.memory_space<vmem>>, %arg5: memref<1x256xf32, #tpu.memory_space<vmem>>, %arg6: memref<1x680x256xf32, #tpu.memory_space<vmem>>) attributes {dimension_semantics = [#tpu.dimension_semantics<arbitrary>, #tpu.dimension_semantics<arbitrary>], iteration_bounds = array<i64: 2, 8>, scalar_prefetch = 0 : i64, scratch_operands = 0 : i64, tpu.core_type = #tpu.core_type<tc>, window_params = [{transform_indices = @transform_0, window_bounds = array<i64: 1, 680, 256>}, {transform_indices = @transform_1, window_bounds = array<i64: 1, 680, 256>}, {pipeline_mode = #tpu.pipeline_mode<synchronous>, transform_indices = @transform_2, window_bounds = array<i64: 256, 256>}, {pipeline_mode = #tpu.pipeline_mode<synchronous>, transform_indices = @transform_3, window_bounds = array<i64: 1, 256>}, {transform_indices = @transform_4, window_bounds = array<i64: 1, 680, 256>}]} {
    %get3A = arith.constant 0 : index
    %get3A_0 = arith.constant 0 : index
    %get3A_1 = arith.constant 0 : index
    %get3A_2 = vector.load %arg2[%get3A, %get3A_0, %get3A_1] : memref<1x680x256xf32, #tpu.memory_space<vmem>>, vector<1x680x256xf32>
    %get3A_3 = vector.shape_cast %get3A_2 : vector<1x680x256xf32> to vector<680x256xf32>
    %get3A_4 = arith.constant 0 : index
    %get3A_5 = arith.constant 0 : index
    %get3A_6 = vector.load %arg4[%get3A_4, %get3A_5] : memref<256x256xf32, #tpu.memory_space<vmem>>, vector<256x256xf32>
    %dot_general3A = arith.constant dense<0.000000e+00> : vector<680x256xf32>
    %dot_general3A_7 = tpu.matmul %get3A_3, %get3A_6, %dot_general3A {dimension_numbers = #tpu.dot_dimension_numbers<[1], [1], [0], [0], [0, 0, 1, 0], [], []>, transpose_lhs_hint = false} : vector<680x256xf32>, vector<256x256xf32>, vector<680x256xf32> -> vector<680x256xf32>
    %get3A_8 = arith.constant 0 : index
    %get3A_9 = arith.constant 0 : index
    %get3A_10 = vector.load %arg5[%get3A_8, %get3A_9] : memref<1x256xf32, #tpu.memory_space<vmem>>, vector<1x256xf32>
    %get3A_11 = vector.shape_cast %get3A_10 : vector<1x256xf32> to vector<256xf32>
    %broadcast_in_dim3A = vector.shape_cast %get3A_11 : vector<256xf32> to vector<1x256xf32>
    %add3A = vector.broadcast %broadcast_in_dim3A : vector<1x256xf32> to vector<680x256xf32>
    %add3A_12 = arith.addf %dot_general3A_7, %add3A : vector<680x256xf32>
    %get3A_13 = arith.constant 0 : index
    %get3A_14 = arith.constant 0 : index
    %get3A_15 = arith.constant 0 : index
    %get3A_16 = vector.load %arg3[%get3A_13, %get3A_14, %get3A_15] : memref<1x680x256xf32, #tpu.memory_space<vmem>>, vector<1x680x256xf32>
    %get3A_17 = vector.shape_cast %get3A_16 : vector<1x680x256xf32> to vector<680x256xf32>
    %add3A_18 = arith.addf %add3A_12, %get3A_17 : vector<680x256xf32>
    %swap3A = arith.constant 0 : index
    %swap3A_19 = arith.constant 0 : index
    %swap3A_20 = arith.constant 0 : index
    %swap3A_21 = vector.load %arg6[%swap3A, %swap3A_19, %swap3A_20] : memref<1x680x256xf32, #tpu.memory_space<vmem>>, vector<1x680x256xf32>
    %swap3A_22 = vector.shape_cast %swap3A_21 : vector<1x680x256xf32> to vector<680x256xf32>
    %swap3A_23 = vector.shape_cast %add3A_18 : vector<680x256xf32> to vector<1x680x256xf32>
    tpu.vector_store %arg6[%swap3A, %swap3A_19, %swap3A_20], %swap3A_23 {strides = array<i32>} : memref<1x680x256xf32, #tpu.memory_space<vmem>>, vector<1x680x256xf32>,
    return
  }
  func.func @transform_0(%arg0: i32, %arg1: i32) -> (i32, i32, i32) {
    %c0_i32 = arith.constant 0 : i32
    %c0_i32_0 = arith.constant 0 : i32
    return %arg0, %arg1, %c0_i32 : i32, i32, i32
  }
  func.func @transform_1(%arg0: i32, %arg1: i32) -> (i32, i32, i32) {
    %c0_i32 = arith.constant 0 : i32
    %c0_i32_0 = arith.constant 0 : i32
    return %arg0, %arg1, %c0_i32 : i32, i32, i32
  }
  func.func @transform_2(%arg0: i32, %arg1: i32) -> (i32, i32) {
    %c0_i32 = arith.constant 0 : i32
    %c0_i32_0 = arith.constant 0 : i32
    %c0_i32_1 = arith.constant 0 : i32
    return %c0_i32, %c0_i32_0 : i32, i32
  }
  func.func @transform_3(%arg0: i32, %arg1: i32) -> (i32, i32) {
    %c0_i32 = arith.constant 0 : i32
    %c0_i32_0 = arith.constant 0 : i32
    %c0_i32_1 = arith.constant 0 : i32
    return %c0_i32, %c0_i32_0 : i32, i32
  }
  func.func @transform_4(%arg0: i32, %arg1: i32) -> (i32, i32, i32) {
    %c0_i32 = arith.constant 0 : i32
    %c0_i32_0 = arith.constant 0 : i32
    return %arg0, %arg1, %c0_i32 : i32, i32, i32
  }
}

</mosaic_0001>

<sc_bundles>
// kernel: kernel.5.cloned.1.call-start
scs
__scs_entry_jumppad:
0x0: {  	(pc) =	sbr.rel $0x88, $3  }
0x1: {  	(tag) =	ssettag $0x0;
	lr =	simm.s32 $0x1  }
0x2: {  	[smem:$0x3F97] =	sst lr;
	_ =	strace $0xD0000000  }
0x3: {  	_ = 	snop  }
0x4: {  	_ = 	snop  }
0x5: {  	_ = 	snop  }
0x6: {  	_ = 	snop  }
0x7: {  	_ = 	snop  }
__scs_overlays_trampoline_lowered:
0x8: {  	[smem:$0x3FA6] =	sst s0  }
0x9: {  	[smem:$0x3FA7] =	sst s1  }
0xa: {  	[smem:$0x3FA8] =	sst s2  }
0xb: {  	[smem:$0x3FA9] =	sst s3  }
0xc: {  	[smem:$0x3FAA] =	sst s4  }
0xd: {  	[smem:$0x3FAB] =	sst s5  }
0xe: {  	[smem:$0x3FAC] =	sst s6  }
0xf: {  	[smem:$0x3FAD] =	sst s7  }
0x10: {  	[smem:$0x3FAE] =	sst s8  }
0x11: {  	[smem:$0x3FAF] =	sst s9;
	s0 =	simm.s32 @!p0 $0x0  }
0x12: {  	s1 =	sld [smem:$0x3F95];
	s0 =	simm.s32 @p0 $0x1  }
0x13: {  	[smem:$0x3FB0] =	sst s0;
	s0 =	simm.s32 @!p1 $0x0  }
0x14: {  	s2 =	sld [smem:$0x3F94];
	s0 =	simm.s32 @p1 $0x1  }
0x15: {  	[smem:$0x3FB1] =	sst s0;
	s0 =	simm.s32 @!p2 $0x0  }
0x16: {  	s3 =	sld [smem:$0x3FDB];
	s0 =	simm.s32 @p2 $0x1  }
0x17: {  	s4 =	simm.s32 $0x1BF5;
	[smem:$0x3FB3] =	sst s0  }
0x18: {  	s0 =	sld [smem:$0x3F96];
	_ =	swait.ge [sflag:s4], $0x0  }
0x19: {  	s7 =	sld [smem:$0x3F97]  }
0x1a: {  	s8 =	sadd.s32 $0xFFFFE003, lr  }
0x1b: {  	s9 =	sadd.s32 $0xFFFFFEF7, lr;
	s5 =	simm.s32 $0xFFFFFFFF;
	p2 =	slt.u32 s8, $0xFFFFF086  }
0x1c: {  	p1 =	slt.u32 s9, $0xF7A;
	s5 =	simm.s32 @!p2 $0x0  }
0x1d: {  	s5 =	simm.s32 @p1 $0x1;
	p0 =	seq.s32 s7, s2  }
0x1e: {  	s7 =	smul.u32 @!p0 $0xF7A, s2;
	p2 =	seq.s32 @!p0 s5, $0x0  }
0x1f: {  	s9 =	smul.u32 $0xF7A, s1;
	s8 =	simm.s32 @!p0 $0x1BF5;
	p2 =	por !p2, p0  }
0x20: {  	[sflag:s8] =	ssyncset.s32 @!p0 $0xFFFFF086;
	s6 =	sadd.s32 @!p0 s3, s7;
	s7 =	simm.s32 @!p0 $0x108  }
0x21: {  	s3 =	sadd.s32 s3, s9;
	s6 =	sadd.s32 @!p0 $0x88, s6;
	s7 =	simm.s32 @p2 $0x1082  }
0x22: {  	[simem:s7], [sflag:s8] =	dma.local @!p0 [hbm:s6], $0xF7A  }
0x23: {  	s9 =	sor.u32 $0xD0000000, s2;
	s6 =	simm.s32 $0x108;
	_ =	swait.ge @!p0 [sflag:s8], $0x0  }
0x24: {  	s3 =	sadd.s32 $0x88, s3;
	s6 =	simm.s32 @!p1 $0x1082;
	[sflag:s4] =	ssyncset.s32 $0xFFFFF086  }
0x25: {  	[simem:s6], [sflag:s4] =	dma.local [hbm:s3], $0xF7A  }
0x26: {  	[smem:$0x3F97] =	sst s1;
	(tag) =	ssettag s2;
	_ =	strace s9  }
0x27: {  	s1 =	sld [smem:$0x3FA7]  }
0x28: {  	s2 =	sld [smem:$0x3FA8]  }
0x29: {  	s4 =	sld [smem:$0x3FAA]  }
0x2a: {  	p0 =	seq.s32 s5, $0x0;
	s5 =	sld [smem:$0x3FAB]  }
0x2b: {  	s6 =	sld [smem:$0x3FAC]  }
0x2c: {  	s7 =	sld [smem:$0x3FAD]  }
0x2d: {  	s3 =	simm.s32 $0x108;
	s8 =	sld [smem:$0x3FAE]  }
0x2e: {  	s3 =	simm.s32 @!p0 $0x1082;
	s9 =	sld [smem:$0x3FAF]  }
0x2f: {  	lr =	sadd.s32 s0, s3;
	s0 =	sld [smem:$0x3FA6]  }
0x30: {  	s3 =	sld [smem:$0x3FA9]  }
0x31: {  	[smem:$0x3FB2] =	sst s10  }
0x32: {  	s10 =	sld [smem:$0x3FB0];
	_ =	sdelay $0x3  }
0x33: {  	p0 =	seq.s32 s10, $0x1;
	s10 =	sld [smem:$0x3FB2];
	_ =	sdelay $0x3  }
0x34: {  	[smem:$0x3FB2] =	sst s10  }
0x35: {  	s10 =	sld [smem:$0x3FB1];
	_ =	sdelay $0x3  }
0x36: {  	p1 =	seq.s32 s10, $0x1;
	s10 =	sld [smem:$0x3FB2];
	_ =	sdelay $0x3  }
0x37: {  	[smem:$0x3FB2] =	sst s10  }
0x38: {  	s10 =	sld [smem:$0x3FB3]  }
0x39: {  	_ = 	snop;
	(pc) =	sbr.ind lr, $3  }
0x3a: {  	_ = 	snop  }
0x3b: {  	_ = 	snop  }
0x3c: {  	p2 =	seq.s32 s10, $0x1;
	s10 =	sld [smem:$0x3FB2]  }
0x3d: {  	_ =	shalt  }
0x3e: {  	_ =	shalt  }
0x3f: {  	_ =	shalt  }
0x40: {  	_ =	shalt  }
0x41: {  	_ =	shalt  }
0x42: {  	_ =	shalt  }
0x43: {  	_ =	shalt  }
0x44: {  	_ =	shalt  }
0x45: {  	_ =	shalt  }
0x46: {  	_ =	shalt  }
0x47: {  	_ =	shalt  }
0x48: {  	_ =	shalt  }
0x49: {  	_ =	shalt  }
0x4a: {  	_ =	shalt  }
0x4b: {  	_ =	shalt  }
0x4c: {  	_ =	shalt  }
0x4d: {  	_ =	shalt  }
0x4e: {  	_ =	shalt  }
0x4f: {  	_ =	shalt  }
0x50: {  	_ =	shalt  }
0x51: {  	_ =	shalt  }
0x52: {  	_ =	shalt  }
0x53: {  	_ =	shalt  }
0x54: {  	_ =	shalt  }
0x55: {  	_ =	shalt  }
0x56: {  	_ =	shalt  }
0x57: {  	_ =	shalt  }
0x58: {  	_ =	shalt  }
0x59: {  	_ =	shalt  }
0x5a: {  	_ =	shalt  }
0x5b: {  	_ =	shalt  }
0x5c: {  	_ =	shalt  }
0x5d: {  	_ =	shalt  }
0x5e: {  	_ =	shalt  }
0x5f: {  	_ =	shalt  }
0x60: {  	_ =	shalt  }
0x61: {  	_ =	shalt  }
0x62: {  	_ =	shalt  }
0x63: {  	_ =	shalt  }
0x64: {  	_ =	shalt  }
0x65: {  	_ =	shalt  }
0x66: {  	_ =	shalt  }
0x67: {  	_ =	shalt  }
0x68: {  	_ =	shalt  }
0x69: {  	_ =	shalt  }
0x6a: {  	_ =	shalt  }
0x6b: {  	_ =	shalt  }
0x6c: {  	_ =	shalt  }
0x6d: {  	_ =	shalt  }
0x6e: {  	_ =	shalt  }
0x6f: {  	_ =	shalt  }
0x70: {  	_ =	shalt  }
0x71: {  	_ =	shalt  }
0x72: {  	_ =	shalt  }
0x73: {  	_ =	shalt  }
0x74: {  	_ =	shalt  }
0x75: {  	_ =	shalt  }
0x76: {  	_ =	shalt  }
0x77: {  	_ =	shalt  }
0x78: {  	_ =	shalt  }
0x79: {  	_ =	shalt  }
0x7a: {  	_ =	shalt  }
0x7b: {  	_ =	shalt  }
0x7c: {  	_ =	shalt  }
0x7d: {  	_ =	shalt  }
0x7e: {  	_ =	shalt  }
0x7f: {  	_ =	shalt  }
0x80: {  	_ =	shalt  }
0x81: {  	_ =	shalt  }
0x82: {  	_ =	shalt  }
0x83: {  	_ =	shalt  }
0x84: {  	_ =	shalt  }
0x85: {  	_ =	shalt  }
0x86: {  	_ =	shalt  }
0x87: {  	_ =	shalt  }
.Lfunc_end0:
.L_simem_size_0:
called_computation_lowered:
.L_overlay_start_0:
0x88: {  	s2 =	sld [smem:$0x3FD9]  }
0x89: {  	s3 =	sld [smem:$0x3FFE];
	_ =	sdelay $0x1  }
0x8a: {  	s1 =	srdreg.scid  }
0x8b: {  	s0 =	sand.u32 $0x1, s1  }
0x8c: {  	s16 =	sshll.u32 s0, $0xA;
	s2 =	sadd.s32 s3, s2  }
0x8d: {  	s2 =	sadd.s32 s2, s16  }
0x8e: {  	[smem:$0x3FBE] =	sst s2  }
0x8f: {  	_ = 	snop  }
0x90: {  	(tm) =	ssettm $0x1  }
0x91: {  	s17 =	sld [smem:$0x3FFB];
	_ =	sdelay $0x3  }
0x92: {  	_ =	strace s17  }
0x93: {  	s2 =	sld [smem:$0x3FFC];
	_ =	sdelay $0x3  }
0x94: {  	_ =	strace s2  }
0x95: {  	s2 =	sld [smem:$0x3FFD];
	_ =	sdelay $0x3  }
0x96: {  	_ =	strace s2  }
0x97: {  	_ =	strace $0x8FFFFFFF  }
0x98: {  	s18 =	sld [smem:$0x3FDB];
	_ =	sdelay $0x1  }
0x99: {  	s19 =	simm.s32 $_scs_section_size  }
0x9a: {  	s4 =	simm.s32 $_size__tile_overlayer_lowered;
	s5 =	simm.s32 $_tile_overlayer_lowered  }
0x9b: {  	s22 =	simm.s32 $0x1BFF;
	s21 =	sshll.u32 s5, $0x1;
	s2 =	sadd.s32 s19, s18  }
0x9c: {  	s6 =	simm.s32 $0x0;
	s20 =	sshll.u32 s4, $0x1;
	s4 =	sadd.s32 s21, s2  }
0x9d: {  	[timem:s6], [sflag:s22] =	dma.local [hbm:s4], s20  }
0x9e: {  	_ =	swait.ge [sflag:s22], s20  }
0x9f: {  	s3 =	ssub.s32 $0x0, s20;
	[sflag:s22] =	ssyncset.done $0x0  }
0xa0: {  	[sflag:s22] =	ssyncadd.s32 s3;
	_ =	sdelay $0x1  }
0xa1: {  	s23 =	simm.s32 $0x1B8B  }
0xa2: {  	_ =	swait.ge [sflag:s23], $0x1  }
0xa3: {  	[sflag:s23] =	ssyncset.done $0x0  }
0xa4: {  	s25 =	simm.s32 $0x1B8E;
	s24 =	sld [smem:$0x3FFE];
	[sflag:s23] =	ssyncadd.s32 $0xFFFFFFFF  }
0xa5: {  	s26 =	simm.s32 $execute0_lowered;
	[smem:$0x3FD2] =	sst s25  }
0xa6: {  	s4 =	sshll.u32 s26, $0x1;
	_ =	strace $0x80000046;
	[dreg:$0x1] =	wrdreg $0xFFFFFFFF  }
0xa7: {  	s28 =	simm.s32 $_size_execute0_lowered;
	s2 =	sadd.s32 s2, s4;
	[dreg:$0x0] =	wrdreg $0x0  }
0xa8: {  	s4 =	sshll.u32 s28, $0x1;
	[dreg:$0x2] =	wrdreg s2  }
0xa9: {  	[dreg:$0x3] =	wrdreg s4  }
0xaa: {  	[dreg:$0x4] =	wrdreg $0xC0  }
0xab: {  	_ =	task [dreg:s6], $0x5FFFF  }
0xac: {  	[dreg:$0x1] =	wrdreg $0xFFFFFFFF  }
0xad: {  	[dreg:$0x0] =	wrdreg $0x60  }
0xae: {  	[dreg:$0x2] =	wrdreg s24  }
0xaf: {  	[dreg:$0x3] =	wrdreg $0x9  }
0xb0: {  	_ =	task.clear_ibuf [dreg:s6], $0x4FFFF;
	_ =	strace $0x90000046  }
0xb1: {  	s29 =	simm.s32 $0x9;
	_ =	strace $0x80000048  }
0xb2: {  	_ =	swait.ge [sflag:s29], $0x1  }
0xb3: {  	[sflag:s29] =	ssyncadd.s32 $0xFFFFFFFF  }
0xb4: {  	_ =	strace $0x90000048  }
0xb5: {  	_ =	sfence  }
0xb6: {  	s30 =	sld [smem:$0x0];
	_ =	sdelay $0x2  }
0xb7: {  	s31 =	sshll.u32 s1, $0xD;
	s1 =	sshrl.u32 s1, $0x2  }
0xb8: {  	s3 =	sand.u32 $0x4000, s31;
	s1 =	sadd.s32 s1, s30  }
0xb9: {  	s0 =	sor.u32 s3, s0;
	s1 =	sshll.u32 s1, $0x11  }
0xba: {  	s0 =	sor.u32 s1, s0  }
0xbb: {  	s0 =	sadd.s32 $0x8F2B, s0  }
0xbc: {  	[sflag:s0] =	ssyncadd.remote.s32 $0x1  }
0xbd: {  	_ =	sfence.sel $0xFFFF  }
0xbe: {  	[dreg:$0x0] =	wrdreg $0xFFFFFFFF;
	(pc) =	sbr.abs _section_cstart, $3  }
0xbf: {  	[dreg:$0x1] =	wrdreg $0xFFFFFFFF  }
0xc0: {  	_ =	task.clear_ibuf [dreg:s6], $0x2FFFF;
	_ =	strace $0x9FFFFFFF  }
0xc1: {  	(tm) =	ssettm $0x7FFFFFFF  }
tec
execute0_lowered:
.L_overlay_start_1:
0x0: {  	(tag) =	ssettag $0x1  }
0x1: {  	s0 =	rddreg [dreg:$0x0]  }
0x2: {  	s1 =	srdreg.scid;
	s12 =	stileid.u32  }
0x3: {  	s2 =	simm.s32 $0x0;
	s16 =	simm.s32 $0x200;
	s28 =	simm.s32 $0x2  }
0x4: {  	s29 =	simm.s32 $0x3;
	s30 =	simm.s32 $0x4;
	s31 =	simm.s32 $0xA  }
0x5: {  	s15 =	simm.s32 $0x5800;
	s1 =	sand.u32 $0x1, s1;
	s6 =	smul.u32 $0x2A8, s12  }
0x6: {  	s3 =	sshll.u32 s12, $0x1;
	[smem:$0x7FF] =	sst s2;
	s26 =	smul.u32 $0x5500, s12  }
0x7: {  	s7 =	sadd.s32 $0x1400, s0;
	s11 =	sadd.s32 $0xAB400, s0;
	s9 =	smul.u32 $0x154, s1  }
0x8: {  	s3 =	sor.u32 s1, s3;
	s5 =	ssub.s32 $0x2, s1;
	s1 =	smul.u32 $0x2A80, s1  }
0x9: {  	_ =	strace $0x80000047;
	s4 =	smul.u32 $0x5500, s3;
	s8 =	sshrl.u32 s5, $0x1  }
0xa: {  	s3 =	sadd.s32 $0x155400, s0;
	s0 =	sadd.s32 $0x1AA400, s0;
	s5 =	ssub.s32 s5, s8  }
0xb: {  	s6 =	sadd.s32 s9, s6;
	s19 =	sadd.s32 s7, s4;
	s20 =	sor.u32 $0x40, s4  }
0xc: {  	s4 =	sadd.s32 s11, s4;
	s22 =	sshll.u32 s6, $0x6;
	[dreg:$0x2] =	wrdreg s19  }
0xd: {  	s5 =	smax.u32 s5, $0x1;
	s6 =	sshll.u32 s6, $0x5;
	[dreg:$0x3] =	wrdreg s4  }
0xe: {  	s21 =	sadd.s32 s7, s20;
	s8 =	sadd.s32 s11, s20;
	[dreg:$0x6] =	wrdreg s5  }
0xf: {  	s23 =	sadd.s32 s22, s7;
	s24 =	sadd.s32 s22, s11;
	s25 =	sadd.s32 s6, s0  }
0x10: {  	s4 =	sor.u32 $0x80, s22;
	s0 =	sadd.s32 s26, s0;
	s19 =	simm.s32 $0x80  }
0x11: {  	s26 =	simm.s32 $0x1;
	s20 =	simm.s32 $0x300;
	[dreg:$0x4] =	wrdreg s21  }
0x12: {  	s22 =	simm.s32 $0x380;
	s6 =	simm.s32 $0x8;
	[dreg:$0x5] =	wrdreg s8  }
0x13: {  	s9 =	sadd.s32 $0xC0, s23;
	s10 =	sadd.s32 $0xC0, s24;
	s5 =	sadd.s32 $0x20, s25  }
.Ltmp0:
0x14: {  	s12 =	sadd.s32 s4, s7;
	s13 =	sadd.s32 s4, s11;
	(pc) =	sbr.rel .LBB2_1-.Ltmp0, $4  }
0x15: {  	s0 =	sadd.s32 s1, s0;
	s21 =	simm.s32 $0x6800;
	s23 =	simm.s32 $0x7800  }
0x16: {  	s24 =	simm.s32 $0x8800;
	s25 =	simm.s32 $0x5;
	s4 =	simm.s32 $0x6  }
0x17: {  	s7 =	simm.s32 $0x8900;
	s11 =	simm.s32 $0xC;
	[dreg:$0x7] =	wrdreg s5  }
0x18: {  	s1 =	simm.s32 $0x0;
	[dreg:$0x8] =	wrdreg s0;
	s5 =	simm.s32 $0x7  }
.LBB2_4:
0x19: {  	s0 =	simm.s32 $0xB  }
0x1a: {  	_ =	swait.ge [sflag:s0], $0x100  }
0x1b: {  	[sflag:s0] =	ssyncset.done $0x0  }
0x1c: {  	[sflag:s0] =	ssyncadd.s32 $0xFFFFFF00  }
0x1d: {  	_ =	swait.ge [sflag:s11], $0x100  }
0x1e: {  	s1 =	rddreg [dreg:$0x9]  }
0x1f: {  	s18 =	rddreg [dreg:$0x6];
	s1 =	sadd.s32 $0x1, s1  }
0x20: {  	p0 =	sne.s32 s1, s18  }
.Ltmp1:
0x21: {  	_ = 	snop;
	(pc) =	sbr.rel @!p0 .LBB2_5-.Ltmp1, $3  }
0x22: {  	_ =	sdelay $0x1  }
0x23: {  	[sflag:s11] =	ssyncset.done $0x0  }
0x24: {  	[sflag:s11] =	ssyncadd.s32 $0xFFFFFF00  }
.LBB2_1:
0x25: {  	[dreg:$0x9] =	wrdreg s1  }
0x26: {  	s0 =	rddreg [dreg:$0x2]  }
0x27: {  	[tilespmem:s2], [sflag:$0x9] =	stream.linear.gather [hbm4b:s0+s2], $0x200, $0x38;
	[tilespmem:$0x8A00] =	vst v63  }
0x28: {  	s17 =	rddreg [dreg:$0x3];
	s18 =	simm.s32 $0x400  }
0x29: {  	[tilespmem:s18], [sflag:$0x9] =	stream.linear.gather [hbm4b:s17+s2], $0x200, $0x38;
	[tilespmem:$0x8A00] =	vst v63  }
0x2a: {  	s1 =	rddreg [dreg:$0x4]  }
0x2b: {  	[tilespmem:s16], [sflag:$0xA] =	stream.linear.gather [hbm4b:s1+s2], $0x200, $0x38;
	[tilespmem:$0x8A00] =	vst v63  }
0x2c: {  	s8 =	rddreg [dreg:$0x5];
	s14 =	simm.s32 $0x600;
	s17 =	simm.s32 $0x9  }
0x2d: {  	[tilespmem:s14], [sflag:$0xA] =	stream.linear.gather [hbm4b:s8+s2], $0x200, $0x38;
	[tilespmem:$0x8A00] =	vst v63  }
0x2e: {  	_ =	swait.ge [sflag:s17], $0x200  }
0x2f: {  	[sflag:s17] =	ssyncset.done $0x0  }
0x30: {  	[sflag:s17] =	ssyncadd.s32 $0xFFFFFE00  }
0x31: {  	_ =	swait.ge [sflag:s17], $0x200  }
0x32: {  	[sflag:s17] =	ssyncset.done $0x0  }
0x33: {  	s18 =	simm.s32 $0x800;
	[sflag:s17] =	ssyncadd.s32 $0xFFFFFE00  }
0x34: {  	[tilespmem:s18], [sflag:$0x1] =	stream.indirect.gather [hbm4b:s3+s19], $0x20, s2, s19, $0xb8;
	[tilespmem:$0x8A00] =	vst v63  }
0x35: {  	s1 =	simm.s32 $0x1800  }
0x36: {  	[tilespmem:s1], [sflag:$0x2] =	stream.indirect.gather [hbm4b:s3+s19], $0x20, s19, s19, $0xb8;
	[tilespmem:$0x8A00] =	vst v63  }
0x37: {  	s8 =	simm.s32 $0x100;
	s14 =	simm.s32 $0x2800  }
0x38: {  	[tilespmem:s14], [sflag:$0x3] =	stream.indirect.gather [hbm4b:s3+s19], $0x20, s8, s19, $0xb8;
	[tilespmem:$0x8A00] =	vst v63  }
0x39: {  	s17 =	simm.s32 $0x180;
	s18 =	simm.s32 $0x3800;
	s8 =	rddreg [dreg:$0x8]  }
0x3a: {  	[tilespmem:s18], [sflag:$0x4] =	stream.indirect.gather [hbm4b:s3+s19], $0x20, s17, s19, $0xb8;
	[tilespmem:$0x8A00] =	vst v63  }
0x3b: {  	s14 =	simm.s32 $0x0;
	s18 =	rddreg [dreg:$0x7]  }
.LBB2_2:
0x3c: {  	_ =	swait.ge [sflag:s26], $0x1000  }
0x3d: {  	[sflag:s26] =	ssyncset.done $0x0  }
0x3e: {  	[sflag:s26] =	ssyncadd.s32 $0xFFFFF000  }
0x3f: {  	_ =	swait.ge [sflag:s28], $0x1000  }
0x40: {  	[sflag:s28] =	ssyncset.done $0x0  }
0x41: {  	[sflag:s28] =	ssyncadd.s32 $0xFFFFF000  }
0x42: {  	_ =	swait.ge [sflag:s29], $0x1000  }
0x43: {  	[sflag:s29] =	ssyncset.done $0x0  }
0x44: {  	[sflag:s29] =	ssyncadd.s32 $0xFFFFF000  }
0x45: {  	_ =	swait.ge [sflag:s30], $0x1000  }
0x46: {  	[sflag:s30] =	ssyncset.done $0x0  }
0x47: {  	[sflag:s30] =	ssyncadd.s32 $0xFFFFF000  }
0x48: {  	_ =	swait.ge [sflag:s31], $0x200  }
0x49: {  	[sflag:s31] =	ssyncset.done $0x0  }
0x4a: {  	[sflag:s31] =	ssyncadd.s32 $0xFFFFFE00  }
0x4b: {  	_ =	swait.ge [sflag:s31], $0x200  }
0x4c: {  	[sflag:s31] =	ssyncset.done $0x0  }
0x4d: {  	s0 =	simm.s32 $0x4800;
	[sflag:s31] =	ssyncadd.s32 $0xFFFFFE00  }
0x4e: {  	[tilespmem:s0], [sflag:$0x5] =	stream.indirect.gather [hbm4b:s3+s19], $0x20, s16, s19, $0xb8;
	[tilespmem:$0x8A00] =	vst v63  }
0x4f: {  	s17 =	simm.s32 $0x280  }
0x50: {  	[tilespmem:s15], [sflag:$0x6] =	stream.indirect.gather [hbm4b:s3+s19], $0x20, s17, s19, $0xb8;
	[tilespmem:$0x8A00] =	vst v63  }
0x51: {  	p0 =	seq.s32 s14, $0x0  }
0x52: {  	[tilespmem:s21], [sflag:$0x7] =	stream.indirect.gather [hbm4b:s3+s19], $0x20, s20, s19, $0xb8;
	[tilespmem:$0x8A00] =	vst v63  }
0x53: {  	s17 =	simm.s32 @!p0 $0xB  }
0x54: {  	[tilespmem:s23], [sflag:$0x8] =	stream.indirect.gather [hbm4b:s3+s19], $0x20, s22, s19, $0xb8;
	[tilespmem:$0x8A00] =	vst v63  }
0x55: {  	_ =	swait.ge @!p0 [sflag:s17], $0x100  }
0x56: {  	[sflag:s17] =	ssyncset.done @!p0 $0x0  }
0x57: {  	[sflag:s17] =	ssyncadd.s32 @!p0 $0xFFFFFF00  }
0x58: {  	v0 =	vld [tilespmem:$0x800]  }
0x59: {  	v1 =	vld [tilespmem:$0x810]  }
0x5a: {  	v2 =	vld [tilespmem:$0x820]  }
0x5b: {  	v3 =	vld [tilespmem:$0x830]  }
0x5c: {  	v4 =	vld [tilespmem:$0x840]  }
0x5d: {  	v37 =	vld [tilespmem:$0x850];
	[tilespmem:$0x8800] =	vst v0  }
0x5e: {  	v38 =	vld [tilespmem:$0x860];
	[tilespmem:$0x8810] =	vst v1  }
0x5f: {  	v39 =	vld [tilespmem:$0x870];
	[tilespmem:$0x8820] =	vst v2  }
0x60: {  	v40 =	vld [tilespmem:$0x880];
	[tilespmem:$0x8830] =	vst v3  }
0x61: {  	v41 =	vld [tilespmem:$0x890];
	[tilespmem:$0x8840] =	vst v4  }
0x62: {  	v42 =	vld [tilespmem:$0x8A0];
	[tilespmem:$0x8850] =	vst v37  }
0x63: {  	v43 =	vld [tilespmem:$0x8B0];
	[tilespmem:$0x8860] =	vst v38  }
0x64: {  	v44 =	vld [tilespmem:$0x8C0];
	[tilespmem:$0x8870] =	vst v39  }
0x65: {  	v45 =	vld [tilespmem:$0x8D0];
	[tilespmem:$0x8880] =	vst v40  }
0x66: {  	v46 =	vld [tilespmem:$0x8E0];
	[tilespmem:$0x8890] =	vst v41  }
0x67: {  	v47 =	vld [tilespmem:$0x8F0];
	[tilespmem:$0x88A0] =	vst v42  }
0x68: {  	[tilespmem:$0x88B0] =	vst v43  }
0x69: {  	[tilespmem:$0x88C0] =	vst v44  }
0x6a: {  	[tilespmem:$0x88D0] =	vst v45  }
0x6b: {  	[tilespmem:$0x88E0] =	vst v46  }
0x6c: {  	p0 =	seq.s32 s14, $0x5480;
	[tilespmem:$0x88F0] =	vst v47  }
0x6d: {  	[hbm4b:s8+s2] =	stream.linear.scatter [tilespmem:s24], [sflag:$0xB], $0x100, $0x38;
	[tilespmem:$0x8A00] =	vst v63  }
0x6e: {  	s17 =	sadd.s32 @!p0 s14, s12;
	s0 =	simm.s32 @!p0 $0x0  }
0x6f: {  	[tilespmem:s0], [sflag:$0x9] =	stream.linear.gather @!p0 [hbm4b:s17+s0], $0x200, $0x38;
	[tilespmem:$0x8A00] =	vst v63  }
0x70: {  	s1 =	simm.s32 @!p0 $0x400;
	s17 =	sadd.s32 @!p0 s14, s13  }
0x71: {  	[tilespmem:s1], [sflag:$0x9] =	stream.linear.gather @!p0 [hbm4b:s17+s0], $0x200, $0x38;
	[tilespmem:$0x8A00] =	vst v63  }
0x72: {  	_ =	swait.ge [sflag:s25], $0x1000  }
0x73: {  	[sflag:s25] =	ssyncset.done $0x0  }
0x74: {  	[sflag:s25] =	ssyncadd.s32 $0xFFFFF000  }
0x75: {  	_ =	swait.ge [sflag:s4], $0x1000  }
0x76: {  	[sflag:s4] =	ssyncset.done $0x0  }
0x77: {  	[sflag:s4] =	ssyncadd.s32 $0xFFFFF000  }
0x78: {  	_ =	swait.ge [sflag:s5], $0x1000  }
0x79: {  	[sflag:s5] =	ssyncset.done $0x0  }
0x7a: {  	[sflag:s5] =	ssyncadd.s32 $0xFFFFF000  }
0x7b: {  	_ =	swait.ge [sflag:s6], $0x1000  }
0x7c: {  	[sflag:s6] =	ssyncset.done $0x0  }
0x7d: {  	s1 =	simm.s32 @!p0 $0x9;
	[sflag:s6] =	ssyncadd.s32 $0xFFFFF000  }
0x7e: {  	_ =	swait.ge @!p0 [sflag:s1], $0x200  }
0x7f: {  	[sflag:s1] =	ssyncset.done @!p0 $0x0  }
0x80: {  	[sflag:s1] =	ssyncadd.s32 @!p0 $0xFFFFFE00  }
0x81: {  	_ =	swait.ge @!p0 [sflag:s1], $0x200  }
0x82: {  	[sflag:s1] =	ssyncset.done @!p0 $0x0  }
0x83: {  	s17 =	simm.s32 @!p0 $0x800;
	[sflag:s1] =	ssyncadd.s32 @!p0 $0xFFFFFE00;
	s1 =	simm.s32 @!p0 $0x80  }
0x84: {  	[tilespmem:s17], [sflag:$0x1] =	stream.indirect.gather @!p0 [hbm4b:s3+s1], $0x20, s0, s1, $0xb8;
	[tilespmem:$0x8A00] =	vst v63  }
0x85: {  	s0 =	simm.s32 @!p0 $0x1800  }
0x86: {  	[tilespmem:s0], [sflag:$0x2] =	stream.indirect.gather @!p0 [hbm4b:s3+s1], $0x20, s1, s1, $0xb8;
	[tilespmem:$0x8A00] =	vst v63  }
0x87: {  	p1 =	seq.s32 @!p0 s14, $0x0;
	s17 =	simm.s32 @!p0 $0x2800;
	s0 =	simm.s32 @!p0 $0x100  }
0x88: {  	[tilespmem:s17], [sflag:$0x3] =	stream.indirect.gather @!p0 [hbm4b:s3+s1], $0x20, s0, s1, $0xb8;
	[tilespmem:$0x8A00] =	vst v63  }
0x89: {  	p1 =	por p0, !p1;
	s0 =	simm.s32 @!p0 $0x180;
	s17 =	simm.s32 @!p0 $0x3800  }
0x8a: {  	[tilespmem:s17], [sflag:$0x4] =	stream.indirect.gather @!p0 [hbm4b:s3+s1], $0x20, s0, s1, $0xb8;
	[tilespmem:$0x8A00] =	vst v63  }
0x8b: {  	_ =	swait.ge @p1 [sflag:s11], $0x100  }
0x8c: {  	[sflag:s11] =	ssyncset.done @p1 $0x0  }
0x8d: {  	[sflag:s11] =	ssyncadd.s32 @p1 $0xFFFFFF00  }
0x8e: {  	v48 =	vld [tilespmem:$0x4800]  }
0x8f: {  	v49 =	vld [tilespmem:$0x4810]  }
0x90: {  	v50 =	vld [tilespmem:$0x4820]  }
0x91: {  	v51 =	vld [tilespmem:$0x4830]  }
0x92: {  	v52 =	vld [tilespmem:$0x4840]  }
0x93: {  	v53 =	vld [tilespmem:$0x4850];
	[tilespmem:$0x8900] =	vst v48  }
0x94: {  	v54 =	vld [tilespmem:$0x4860];
	[tilespmem:$0x8910] =	vst v49  }
0x95: {  	v55 =	vld [tilespmem:$0x4870];
	[tilespmem:$0x8920] =	vst v50  }
0x96: {  	v56 =	vld [tilespmem:$0x4880];
	[tilespmem:$0x8930] =	vst v51  }
0x97: {  	v57 =	vld [tilespmem:$0x4890];
	[tilespmem:$0x8940] =	vst v52  }
0x98: {  	v58 =	vld [tilespmem:$0x48A0];
	[tilespmem:$0x8950] =	vst v53  }
0x99: {  	v59 =	vld [tilespmem:$0x48B0];
	[tilespmem:$0x8960] =	vst v54  }
0x9a: {  	v60 =	vld [tilespmem:$0x48C0];
	[tilespmem:$0x8970] =	vst v55  }
0x9b: {  	v61 =	vld [tilespmem:$0x48D0];
	[tilespmem:$0x8980] =	vst v56  }
0x9c: {  	v62 =	vld [tilespmem:$0x48E0];
	[tilespmem:$0x8990] =	vst v57  }
0x9d: {  	v63 =	vld [tilespmem:$0x48F0];
	[tilespmem:$0x89A0] =	vst v58  }
0x9e: {  	[tilespmem:$0x89B0] =	vst v59  }
.Ltmp2:
0x9f: {  	[tilespmem:$0x89C0] =	vst v60;
	(pc) =	sbr.rel @p0 .LBB2_4-.Ltmp2, $4  }
0xa0: {  	[tilespmem:$0x89D0] =	vst v61  }
0xa1: {  	[tilespmem:$0x89E0] =	vst v62  }
0xa2: {  	[tilespmem:$0x89F0] =	vst v63  }
0xa3: {  	[hbm4b:s18+s2] =	stream.linear.scatter [tilespmem:s7], [sflag:$0xC], $0x100, $0x38;
	[tilespmem:$0x8A00] =	vst v63  }
.Ltmp3:
0xa4: {  	(pc) =	sbr.rel .LBB2_2-.Ltmp3, $4  }
0xa5: {  	s0 =	sadd.s32 s14, s9;
	s17 =	sadd.s32 s14, s10;
	s1 =	simm.s32 $0x600  }
0xa6: {  	[tilespmem:s16], [sflag:$0xA] =	stream.linear.gather [hbm4b:s0+s2], $0x200, $0x38;
	[tilespmem:$0x8A00] =	vst v63  }
0xa7: {  	s14 =	sadd.s32 $0x80, s14;
	s18 =	sadd.s32 $0x40, s18;
	s8 =	sadd.s32 $0x40, s8  }
0xa8: {  	[tilespmem:s1], [sflag:$0xA] =	stream.linear.gather [hbm4b:s17+s2], $0x200, $0x38;
	[tilespmem:$0x8A00] =	vst v63  }
.LBB2_5:
0xa9: {  	_ =	sfence.sel $0x180000  }
0xaa: {  	[bflag:$0x0] =	sbarrier.arrive $0xFFFF  }
0xab: {  	_ =	strace $0x90000047  }
0xac: {  	s0 =	stileid.u32;
	[bflag:$0x2] =	sbarrier.arrive $0xFFFF  }
0xad: {  	p0 =	sne.s32 s0, $0x0;
	s0 =	rddreg [dreg:$0x1]  }
0xae: {  	s0 =	sadd.s32 @!p0 $0x100000, s0  }
0xaf: {  	[sflag:s0] =	ssyncadd.tile.s32 @!p0 $0x1;
	_ =	shalt  }
.Lfunc_end2:
_tile_overlayer_lowered:
.L_overlay_start_2:
0xb0: {  	(tag) =	ssettag $0x2  }
0xb1: {  	s0 =	rddreg [dreg:$0x0];
	s2 =	stileid.u32  }
0xb2: {  	s1 =	rddreg [dreg:$0x1];
	p0 =	sne.s32 s2, $0x0  }
0xb3: {  	s3 =	rddreg [dreg:$0x2];
	[bflag:$0x3] =	sbarrier.arrive $0xFFFF;
	s2 =	simm.s32 @!p0 $0x1C0D  }
0xb4: {  	[timem:s3], [sflag:s2] =	dma.local @!p0 [hbm:s0], s1  }
0xb5: {  	s0 =	simm.s32 @!p0 $0xD  }
0xb6: {  	_ =	swait.ge @!p0 [sflag:s0], s1  }
0xb7: {  	s1 =	ssub.s32 @!p0 $0x0, s1;
	[sflag:s0] =	ssyncset.done @!p0 $0x0  }
0xb8: {  	[sflag:s0] =	ssyncadd.s32 @!p0 s1  }
0xb9: {  	[bflag:$0x3] =	sbarrier.arrive $0xFFFF  }
0xba: {  	_ =	shalt  }

</sc_bundles>
